<compile_context>
chip_gen: v7x
topology: tpu7x:2x2x1
jax: 0.10.2.dev20260603
libtpu: 0.0.44.dev20260713+nightly
codegen_flags: <defaults>
</compile_context>

<pallas_src>
import functools

import jax
import jax.numpy as jnp
from jax import lax
from jax.experimental import pallas as pl
from jax.experimental.pallas import tpu as pltpu
from jax.experimental.pallas import tpu_sc as plsc

N = 10000
E = 320000
F = 128
R = 16

ALPHA = 0.01
MU = 2.5

NC = 2
NS = 16
NW = NC * NS
WBLK = 4000
PR = E // 2
PRW = PR // NW
CH = 40
NCH = PRW // CH
NPAD = 10240
ROWS_PER_S = NPAD // NS


def _smu(x):
    return ((1 + ALPHA) * x
            + (1 - ALPHA) * x * lax.erf(MU * (1 - ALPHA) * x)) / 2



def _h_body(x_ref, w_ref, o_ref):
    o_ref[...] = jnp.dot(x_ref[...], w_ref[...],
                         preferred_element_type=jnp.float32)


def _compute_h(x, w):
    blk = 2000
    return pl.pallas_call(
        _h_body,
        grid=(N // blk,),
        in_specs=[
            pl.BlockSpec((blk, F), lambda i: (i, 0)),
            pl.BlockSpec((F, F), lambda i: (0, 0)),
        ],
        out_specs=pl.BlockSpec((blk, F), lambda i: (i, 0)),
        out_shape=jax.ShapeDtypeStruct((N, F), jnp.float32),
    )(x, w)



def _wij_body(f_ref, rc_ref, w1_ref, b1_ref, w2_ref, b2_ref, o_ref):
    tp = jnp.dot(f_ref[...], w1_ref[...], preferred_element_type=jnp.float32)
    tp = _smu(tp + b1_ref[...])
    wl = jnp.dot(tp[:, :F], w2_ref[...], preferred_element_type=jnp.float32)
    wl = (wl + b2_ref[...]) * rc_ref[:, 0:1]
    wh = jnp.dot(tp[:, F:], w2_ref[...], preferred_element_type=jnp.float32)
    wh = (wh + b2_ref[...]) * rc_ref[:, 1:2]
    l16 = lax.bitcast_convert_type(
        wl.astype(jnp.bfloat16), jnp.uint16).astype(jnp.uint32)
    h16 = lax.bitcast_convert_type(
        wh.astype(jnp.bfloat16), jnp.uint16).astype(jnp.uint32)
    o_ref[...] = lax.bitcast_convert_type(l16 | (h16 << 16), jnp.int32)


def _compute_wij(f_packed, rcut_packed, w1e, b1t, w2, b2):
    return pl.pallas_call(
        _wij_body,
        grid=(E // WBLK,),
        in_specs=[
            pl.BlockSpec((WBLK // 2, 2 * R), lambda i: (i, 0)),
            pl.BlockSpec((WBLK // 2, 2), lambda i: (i, 0)),
            pl.BlockSpec((2 * R, 2 * F), lambda i: (0, 0)),
            pl.BlockSpec((1, 2 * F), lambda i: (0, 0)),
            pl.BlockSpec((F, F), lambda i: (0, 0)),
            pl.BlockSpec((1, F), lambda i: (0, 0)),
        ],
        out_specs=pl.BlockSpec((WBLK // 2, F), lambda i: (i, 0)),
        out_shape=jax.ShapeDtypeStruct((PR, F), jnp.int32),
    )(f_packed, rcut_packed, w1e, b1t, w2, b2)



def _mul_rows(xj, wp):
    def m_body(m, c2):
        for k in range(F // 16):
            sl = pl.ds(16 * k, 16)
            wv = wp[m, sl]
            a = lax.bitcast_convert_type(wv << 16, jnp.float32)
            b = lax.bitcast_convert_type(wv & jnp.int32(-65536), jnp.float32)
            xj[m, sl] = xj[m, sl] * a
            xj[CH + m, sl] = xj[CH + m, sl] * b
        return c2
    lax.fori_loop(0, CH, m_body, 0)


def _chunk_start(h_hbm, wij_hbm, idx_v, p, off, xj, wp, g, w):
    cg1 = pltpu.async_copy(h_hbm.at[idx_v.at[p, 1]], xj.at[pl.ds(0, CH)], g)
    cg2 = pltpu.async_copy(h_hbm.at[idx_v.at[p, 3]], xj.at[pl.ds(CH, CH)], g)
    cw = pltpu.async_copy(wij_hbm.at[pl.ds(off, CH)], wp, w)
    return cg1, cg2, cw


def _chunk_scatter(agg_sh, idx_v, p, xj, s):
    cs1 = pltpu.async_copy(xj.at[pl.ds(0, CH)], agg_sh.at[idx_v.at[p, 0]],
                           s, add=True)
    cs2 = pltpu.async_copy(xj.at[pl.ds(CH, CH)], agg_sh.at[idx_v.at[p, 2]],
                           s, add=True)
    return cs1, cs2


def _sc_body(h_hbm, wij_hbm, idx_hbm, zeros_hbm, out_hbm,
             idx_v, xj_a, wp_a, xj_b, wp_b, agg_sh,
             g_a, w_a, s_a, g_b, w_b, s_b):
    cid = lax.axis_index("c")
    sid = lax.axis_index("s")
    wid = sid * NC + cid
    base_p = wid * PRW

    rows = pl.ds(sid * ROWS_PER_S, ROWS_PER_S)
    pltpu.sync_copy(zeros_hbm.at[rows], agg_sh.at[rows])
    plsc.subcore_barrier()

    def pair_body(i, carry):
        ta = 2 * i
        tb = 2 * i + 1
        offa = pl.multiple_of(base_p + ta * CH, 8)
        offb = pl.multiple_of(base_p + tb * CH, 8)
        pltpu.sync_copy(idx_hbm.at[wid, pl.ds(ta, 2)], idx_v)
        cga1, cga2, cwa = _chunk_start(h_hbm, wij_hbm, idx_v, 0, offa,
                                       xj_a, wp_a, g_a, w_a)
        cgb1, cgb2, cwb = _chunk_start(h_hbm, wij_hbm, idx_v, 1, offb,
                                       xj_b, wp_b, g_b, w_b)
        cga1.wait()
        cga2.wait()
        cwa.wait()
        _mul_rows(xj_a, wp_a)
        csa1, csa2 = _chunk_scatter(agg_sh, idx_v, 0, xj_a, s_a)
        cgb1.wait()
        cgb2.wait()
        cwb.wait()
        _mul_rows(xj_b, wp_b)
        csb1, csb2 = _chunk_scatter(agg_sh, idx_v, 1, xj_b, s_b)
        csa1.wait()
        csa2.wait()
        csb1.wait()
        csb2.wait()
        return carry

    lax.fori_loop(0, NCH // 2, pair_body, 0)

    tt = NCH - 1
    offt = pl.multiple_of(base_p + tt * CH, 8)
    pltpu.sync_copy(idx_hbm.at[wid, pl.ds(tt - 1, 2)], idx_v)
    cgt1, cgt2, cwt = _chunk_start(h_hbm, wij_hbm, idx_v, 1, offt,
                                   xj_a, wp_a, g_a, w_a)
    cgt1.wait()
    cgt2.wait()
    cwt.wait()
    _mul_rows(xj_a, wp_a)
    cst1, cst2 = _chunk_scatter(agg_sh, idx_v, 1, xj_a, s_a)
    cst1.wait()
    cst2.wait()

    plsc.subcore_barrier()
    pltpu.sync_copy(agg_sh.at[rows], out_hbm.at[cid, rows])


def _sc_aggregate(h, wij_packed, idx_i, idx_j, zeros):
    def arrange(v):
        a = v.reshape(PR, 2)
        lo = a[:, 0].reshape(NW, NCH, CH)
        hi = a[:, 1].reshape(NW, NCH, CH)
        return lo, hi

    ilo, ihi = arrange(idx_i)
    jlo, jhi = arrange(idx_j)
    idx_pack = jnp.stack([ilo, jlo, ihi, jhi], axis=2)
    mesh = plsc.VectorSubcoreMesh(core_axis_name="c", subcore_axis_name="s")
    k = functools.partial(
        pl.kernel,
        mesh=mesh,
        out_type=jax.ShapeDtypeStruct((NC, NPAD, F), jnp.float32),
        scratch_types=[
            pltpu.VMEM((2, 4, CH), jnp.int32),
            pltpu.VMEM((2 * CH, F), jnp.float32),
            pltpu.VMEM((CH, F), jnp.int32),
            pltpu.VMEM((2 * CH, F), jnp.float32),
            pltpu.VMEM((CH, F), jnp.int32),
            pltpu.VMEM_SHARED((NPAD, F), jnp.float32),
            pltpu.SemaphoreType.DMA,
            pltpu.SemaphoreType.DMA,
            pltpu.SemaphoreType.DMA,
            pltpu.SemaphoreType.DMA,
            pltpu.SemaphoreType.DMA,
            pltpu.SemaphoreType.DMA,
        ],
    )(_sc_body)
    return k(h, wij_packed, idx_pack, zeros)



def _out_body(p0_ref, p1_ref, w1_ref, b1_ref, w2_ref, b2_ref, o_ref):
    a = p0_ref[...] + p1_ref[...]
    t = _smu(jnp.dot(a, w1_ref[...], preferred_element_type=jnp.float32)
             + b1_ref[...])
    o_ref[...] = jnp.dot(t, w2_ref[...],
                         preferred_element_type=jnp.float32) + b2_ref[...]


def _compute_out(p0, p1, w1, b1, w2, b2):
    blk = 2000
    return pl.pallas_call(
        _out_body,
        grid=(N // blk,),
        in_specs=[
            pl.BlockSpec((blk, F), lambda i: (i, 0)),
            pl.BlockSpec((blk, F), lambda i: (i, 0)),
            pl.BlockSpec((F, F), lambda i: (0, 0)),
            pl.BlockSpec((1, F), lambda i: (0, 0)),
            pl.BlockSpec((F, F), lambda i: (0, 0)),
            pl.BlockSpec((1, F), lambda i: (0, 0)),
        ],
        out_specs=pl.BlockSpec((blk, F), lambda i: (i, 0)),
        out_shape=jax.ShapeDtypeStruct((N, F), jnp.float32),
    )(p0, p1, w1, b1, w2, b2)


def kernel(x, f_ij, rcut_ij, W_in2f, W_f1, b_f1, W_f2, b_f2,
           W_o1, b_o1, W_o2, b_o2, idx_i, idx_j):
    h = _compute_h(x, W_in2f)
    w1e = jnp.kron(jnp.eye(2, dtype=W_f1.dtype), W_f1)
    b1t = jnp.tile(b_f1.reshape(1, F), (1, 2))
    wij = _compute_wij(f_ij.reshape(E // 2, 2 * R),
                       rcut_ij.reshape(E // 2, 2),
                       w1e, b1t, W_f2, b_f2.reshape(1, F))
    zeros = jnp.zeros((NPAD, F), jnp.float32)
    parts = _sc_aggregate(h, wij, idx_i.astype(jnp.int32),
                          idx_j.astype(jnp.int32), zeros)
    out = _compute_out(parts[0], parts[1],
                       W_o1, b_o1.reshape(1, F), W_o2, b_o2.reshape(1, F))
    return out

# --- scband reference (transcript-rebuilt; emitter-appended) ---
"""Pipeline reference for scband-sch-net-interaction-28071906247085 (READ-ONLY COPY).

The authoritative reference and input builder live on the scoring server;
editing this copy changes nothing except your own understanding.
"""

import jax, jax.numpy as jnp
import numpy as np

ALPHA = 0.01
MU = 2.5

def smu(x):
    return ((1 + ALPHA) * x + (1 - ALPHA) * x * jax.scipy.special.erf(MU * (1 - ALPHA) * x)) / 2

def _lin(k, fan_in, fan_out):
    bound = 1.0 / np.sqrt(fan_in)
    return jax.random.uniform(k, (fan_in, fan_out), minval=-bound, maxval=bound, dtype=jnp.float32)

def setup_inputs(seed: int = 0):
    key = jax.random.key(seed)
    ks = jax.random.split(key, 12)
    N, E = 10000, 320000
    n_atom_basis, n_rbf, n_filters = 128, 16, 128
    x = jax.random.normal(ks[0], (N, n_atom_basis), dtype=jnp.float32)
    f_ij = jax.random.uniform(ks[1], (E, n_rbf), dtype=jnp.float32)
    idx_i = jax.random.randint(ks[2], (E,), 0, N)
    idx_j = jax.random.randint(ks[3], (E,), 0, N)
    rcut_ij = jax.random.uniform(ks[4], (E,), dtype=jnp.float32)
    W_in2f = _lin(ks[5], n_atom_basis, n_filters)
    W_f1 = _lin(ks[6], n_rbf, n_filters)
    b_f1 = jnp.zeros((n_filters,), jnp.float32)
    W_f2 = _lin(ks[7], n_filters, n_filters)
    b_f2 = jnp.zeros((n_filters,), jnp.float32)
    W_o1 = _lin(ks[8], n_filters, n_atom_basis)
    b_o1 = jnp.zeros((n_atom_basis,), jnp.float32)
    W_o2 = _lin(ks[9], n_atom_basis, n_atom_basis)
    b_o2 = jnp.zeros((n_atom_basis,), jnp.float32)
    return {"x": x, "f_ij": f_ij, "rcut_ij": rcut_ij, "W_in2f": W_in2f, "W_f1": W_f1, "b_f1": b_f1, "W_f2": W_f2, "b_f2": b_f2, "W_o1": W_o1, "b_o1": b_o1, "W_o2": W_o2, "b_o2": b_o2, "idx_i": idx_i, "idx_j": idx_j}

def reference(x, f_ij, rcut_ij, W_in2f, W_f1, b_f1, W_f2, b_f2, W_o1, b_o1, W_o2, b_o2, idx_i, idx_j):
    # in2f: Dense(n_atom_basis, n_filters, bias=False, activation=None)
    h = x @ W_in2f
    # filter_network: Dense(n_rbf, n_filters, SMU) -> Dense(n_filters, n_filters)
    Wij = smu(f_ij @ W_f1 + b_f1) @ W_f2 + b_f2
    Wij = Wij * rcut_ij[:, None]
    # gather neighbor features
    x_j = h[idx_j]
    x_ij = x_j * Wij
    # scatter-add into center atoms
    agg = jax.ops.segment_sum(x_ij, idx_i, num_segments=x.shape[0])
    # f2out: Dense(n_filters, n_atom_basis, SMU) -> Dense(n_atom_basis, n_atom_basis)
    out = smu(agg @ W_o1 + b_o1) @ W_o2 + b_o2
    return out

if __name__ == "__main__":
    import jax
    _d = setup_inputs()
    print(jax.jit(kernel)(*tuple(_d.values())))

</pallas_src>

<mosaic_0001>
#map = affine_map<(d0, d1) -> (0, 0)>
#map1 = affine_map<(d0, d1) -> (0, 0, 0, 0)>
#map2 = affine_map<(d0, d1) -> (0, 0, 0)>
module attributes {stable_mosaic.version = 14 : i64} {
  func.func @_sc_body(%arg0: i32, %arg1: i32, %arg2: memref<10000x128xf32, #tpu.memory_space<hbm>>, %arg3: memref<160000x128xi32, #tpu.memory_space<hbm>>, %arg4: memref<32x125x4x40xi32, #tpu.memory_space<hbm>>, %arg5: memref<10240x128xf32, #tpu.memory_space<hbm>>, %arg6: memref<2x10240x128xf32, #tpu.memory_space<hbm>>, %arg7: memref<2x4x40xi32, #tpu.memory_space<vmem>>, %arg8: memref<80x128xf32, #tpu.memory_space<vmem>>, %arg9: memref<40x128xi32, #tpu.memory_space<vmem>>, %arg10: memref<80x128xf32, #tpu.memory_space<vmem>>, %arg11: memref<40x128xi32, #tpu.memory_space<vmem>>, %arg12: memref<10240x128xf32, #tpu.memory_space<vmem_shared>>, %arg13: memref<!tpu.dma_semaphore, #tpu.memory_space<semaphore_mem>>, %arg14: memref<!tpu.dma_semaphore, #tpu.memory_space<semaphore_mem>>, %arg15: memref<!tpu.dma_semaphore, #tpu.memory_space<semaphore_mem>>, %arg16: memref<!tpu.dma_semaphore, #tpu.memory_space<semaphore_mem>>, %arg17: memref<!tpu.dma_semaphore, #tpu.memory_space<semaphore_mem>>, %arg18: memref<!tpu.dma_semaphore, #tpu.memory_space<semaphore_mem>>) attributes {dimension_semantics = [#tpu.dimension_semantics<core_parallel>, #tpu.dimension_semantics<subcore_parallel>], iteration_bounds = array<i64: 2, 16>, scalar_prefetch = 0 : i64, scratch_operands = 12 : i64, tpu.core_type = #tpu.core_type<sc_vector_subcore>, window_params = [{transform_indices = #map}, {transform_indices = #map}, {transform_indices = #map1}, {transform_indices = #map}, {transform_indices = #map2}]} {
    %mul3A = arith.constant 2 : i32
    %mul3A_0 = arith.muli %arg1, %mul3A : i32
    %add3A = arith.addi %mul3A_0, %arg0 : i32
    %mul3A_1 = arith.constant 5000 : i32
    %mul3A_2 = arith.muli %add3A, %mul3A_1 : i32
    %mul3A_3 = arith.constant 640 : i32
    %mul3A_4 = arith.muli %arg1, %mul3A_3 : i32
    "tpu.region"() ({
      %run_scoped3A = tpu.sem_alloc : memref<!tpu.dma_semaphore, #tpu.memory_space<semaphore_mem>>
      %dma_start3A_113 = arith.constant 0 : i32
      %dma_start3A_114 = tpu.memref_slice %arg12[%mul3A_4, %dma_start3A_113] : memref<10240x128xf32, #tpu.memory_space<vmem_shared>> -> memref<640x128xf32, #tpu.memory_space<vmem_shared>>
      %dma_start3A_115 = arith.constant 0 : i32
      %dma_start3A_116 = tpu.memref_slice %arg5[%mul3A_4, %dma_start3A_115] : memref<10240x128xf32, #tpu.memory_space<hbm>> -> memref<640x128xf32, #tpu.memory_space<hbm>>
      tpu.enqueue_dma source(%dma_start3A_116 : memref<640x128xf32, #tpu.memory_space<hbm>>) target(%dma_start3A_114 : memref<640x128xf32, #tpu.memory_space<vmem_shared>>) target_semaphore(%run_scoped3A : memref<!tpu.dma_semaphore, #tpu.memory_space<semaphore_mem>>)
      %dma_wait3A_117 = arith.constant 0 : i32
      %dma_wait3A_118 = tpu.memref_slice %arg12[%mul3A_4, %dma_wait3A_117] : memref<10240x128xf32, #tpu.memory_space<vmem_shared>> -> memref<640x128xf32, #tpu.memory_space<vmem_shared>>
      %dma_wait3A_119 = arith.constant 0 : i32
      %dma_wait3A_120 = tpu.memref_slice %arg5[%mul3A_4, %dma_wait3A_119] : memref<10240x128xf32, #tpu.memory_space<hbm>> -> memref<640x128xf32, #tpu.memory_space<hbm>>
      tpu.wait_dma2 semaphore(%run_scoped3A : memref<!tpu.dma_semaphore, #tpu.memory_space<semaphore_mem>>) src(%dma_wait3A_120 : memref<640x128xf32, #tpu.memory_space<hbm>>) dst(%dma_wait3A_118 : memref<640x128xf32, #tpu.memory_space<vmem_shared>>)
      tpu.yield
    }) : () -> ()
    %barrier3A = arith.constant 0 : index
    tpu.barrier barrier_id(%barrier3A)
    %scan3A = arith.constant 0 : i32
    %scan3A_5 = arith.constant 0 : i32
    %scan3A_6 = arith.constant 62 : i32
    %scan3A_7 = arith.addi %scan3A_5, %scan3A_6 : i32
    %scan3A_8 = arith.constant 1 : i32
    scf.for %scan3A_113 = %scan3A_5 to %scan3A_7 step %scan3A_8  : i32 {
      %mul3A_114 = arith.constant 2 : i32
      %mul3A_115 = arith.muli %mul3A_114, %scan3A_113 : i32
      %mul3A_116 = arith.constant 2 : i32
      %mul3A_117 = arith.muli %mul3A_116, %scan3A_113 : i32
      %add3A_118 = arith.constant 1 : i32
      %add3A_119 = arith.addi %mul3A_117, %add3A_118 : i32
      %mul3A_120 = arith.constant 40 : i32
      %mul3A_121 = arith.muli %mul3A_115, %mul3A_120 : i32
      %add3A_122 = arith.addi %mul3A_2, %mul3A_121 : i32
      %multiple_of3A_123 = tpu.assume_multiple %add3A_122, 8 : i32
      %mul3A_124 = arith.constant 40 : i32
      %mul3A_125 = arith.muli %add3A_119, %mul3A_124 : i32
      %add3A_126 = arith.addi %mul3A_2, %mul3A_125 : i32
      %multiple_of3A_127 = tpu.assume_multiple %add3A_126, 8 : i32
      "tpu.region"() ({
        %run_scoped3A = tpu.sem_alloc : memref<!tpu.dma_semaphore, #tpu.memory_space<semaphore_mem>>
        %dma_start3A_332 = arith.constant 0 : i32
        %dma_start3A_333 = arith.constant 0 : i32
        %dma_start3A_334 = tpu.memref_slice %arg4[%add3A, %mul3A_115, %dma_start3A_332, %dma_start3A_333] : memref<32x125x4x40xi32, #tpu.memory_space<hbm>> -> memref<1x2x4x40xi32, #tpu.memory_space<hbm>>
        %dma_start3A_335 = tpu.memref_squeeze %dma_start3A_334 : memref<1x2x4x40xi32, #tpu.memory_space<hbm>> -> memref<2x4x40xi32, #tpu.memory_space<hbm>>
        %dma_start3A_336 = arith.constant 0 : i32
        %dma_start3A_337 = arith.constant 0 : i32
        %dma_start3A_338 = tpu.memref_slice %arg4[%add3A, %mul3A_115, %dma_start3A_336, %dma_start3A_337] : memref<32x125x4x40xi32, #tpu.memory_space<hbm>> -> memref<1x2x4x40xi32, #tpu.memory_space<hbm>>
        %dma_start3A_339 = tpu.memref_squeeze %dma_start3A_338 : memref<1x2x4x40xi32, #tpu.memory_space<hbm>> -> memref<2x4x40xi32, #tpu.memory_space<hbm>>
        tpu.enqueue_dma source(%dma_start3A_339 : memref<2x4x40xi32, #tpu.memory_space<hbm>>) target(%arg7 : memref<2x4x40xi32, #tpu.memory_space<vmem>>) target_semaphore(%run_scoped3A : memref<!tpu.dma_semaphore, #tpu.memory_space<semaphore_mem>>)
        %dma_wait3A_340 = arith.constant 0 : i32
        %dma_wait3A_341 = arith.constant 0 : i32
        %dma_wait3A_342 = tpu.memref_slice %arg4[%add3A, %mul3A_115, %dma_wait3A_340, %dma_wait3A_341] : memref<32x125x4x40xi32, #tpu.memory_space<hbm>> -> memref<1x2x4x40xi32, #tpu.memory_space<hbm>>
        %dma_wait3A_343 = tpu.memref_squeeze %dma_wait3A_342 : memref<1x2x4x40xi32, #tpu.memory_space<hbm>> -> memref<2x4x40xi32, #tpu.memory_space<hbm>>
        %dma_wait3A_344 = arith.constant 0 : i32
        %dma_wait3A_345 = arith.constant 0 : i32
        %dma_wait3A_346 = tpu.memref_slice %arg4[%add3A, %mul3A_115, %dma_wait3A_344, %dma_wait3A_345] : memref<32x125x4x40xi32, #tpu.memory_space<hbm>> -> memref<1x2x4x40xi32, #tpu.memory_space<hbm>>
        %dma_wait3A_347 = tpu.memref_squeeze %dma_wait3A_346 : memref<1x2x4x40xi32, #tpu.memory_space<hbm>> -> memref<2x4x40xi32, #tpu.memory_space<hbm>>
        tpu.wait_dma2 semaphore(%run_scoped3A : memref<!tpu.dma_semaphore, #tpu.memory_space<semaphore_mem>>) src(%dma_wait3A_347 : memref<2x4x40xi32, #tpu.memory_space<hbm>>) dst(%arg7 : memref<2x4x40xi32, #tpu.memory_space<vmem>>)
        tpu.yield
      }) : () -> ()
      %dma_start3A_128 = arith.constant 0 : i32
      %dma_start3A_129 = arith.constant 1 : i32
      %dma_start3A_130 = arith.constant 0 : i32
      %dma_start3A_131 = arith.constant 0 : i32
      %dma_start3A_132 = tpu.memref_slice %arg8[%dma_start3A_130, %dma_start3A_131] : memref<80x128xf32, #tpu.memory_space<vmem>> -> memref<40x128xf32, #tpu.memory_space<vmem>>
      %dma_start3A_133 = arith.constant 0 : i32
      %dma_start3A_134 = tpu.memref_slice %arg7[%dma_start3A_128, %dma_start3A_129, %dma_start3A_133] : memref<2x4x40xi32, #tpu.memory_space<vmem>> -> memref<1x1x40xi32, #tpu.memory_space<vmem>>
      %dma_start3A_135 = tpu.memref_squeeze %dma_start3A_134 : memref<1x1x40xi32, #tpu.memory_space<vmem>> -> memref<40xi32, #tpu.memory_space<vmem>>
      %dma_start3A_136 = arith.constant 0 : i32
      %dma_start3A_137 = arith.constant 0 : i32
      %dma_start3A_138 = tpu.memref_slice %arg2[%dma_start3A_136, %dma_start3A_137] : memref<10000x128xf32, #tpu.memory_space<hbm>> -> memref<10000x128xf32, #tpu.memory_space<hbm>>
      tpu.enqueue_indirect_dma source(%dma_start3A_138 : memref<10000x128xf32, #tpu.memory_space<hbm>>) target(%dma_start3A_132 : memref<40x128xf32, #tpu.memory_space<vmem>>) offsets(%dma_start3A_135 : memref<40xi32, #tpu.memory_space<vmem>>) semaphore(%arg13 : memref<!tpu.dma_semaphore, #tpu.memory_space<semaphore_mem>>)
      %dma_start3A_139 = arith.constant 0 : i32
      %dma_start3A_140 = arith.constant 3 : i32
      %dma_start3A_141 = arith.constant 40 : i32
      %dma_start3A_142 = arith.constant 0 : i32
      %dma_start3A_143 = tpu.memref_slice %arg8[%dma_start3A_141, %dma_start3A_142] : memref<80x128xf32, #tpu.memory_space<vmem>> -> memref<40x128xf32, #tpu.memory_space<vmem>>
      %dma_start3A_144 = arith.constant 0 : i32
      %dma_start3A_145 = tpu.memref_slice %arg7[%dma_start3A_139, %dma_start3A_140, %dma_start3A_144] : memref<2x4x40xi32, #tpu.memory_space<vmem>> -> memref<1x1x40xi32, #tpu.memory_space<vmem>>
      %dma_start3A_146 = tpu.memref_squeeze %dma_start3A_145 : memref<1x1x40xi32, #tpu.memory_space<vmem>> -> memref<40xi32, #tpu.memory_space<vmem>>
      %dma_start3A_147 = arith.constant 0 : i32
      %dma_start3A_148 = arith.constant 0 : i32
      %dma_start3A_149 = tpu.memref_slice %arg2[%dma_start3A_147, %dma_start3A_148] : memref<10000x128xf32, #tpu.memory_space<hbm>> -> memref<10000x128xf32, #tpu.memory_space<hbm>>
      tpu.enqueue_indirect_dma source(%dma_start3A_149 : memref<10000x128xf32, #tpu.memory_space<hbm>>) target(%dma_start3A_143 : memref<40x128xf32, #tpu.memory_space<vmem>>) offsets(%dma_start3A_146 : memref<40xi32, #tpu.memory_space<vmem>>) semaphore(%arg13 : memref<!tpu.dma_semaphore, #tpu.memory_space<semaphore_mem>>)
      %dma_start3A_150 = arith.constant 0 : i32
      %dma_start3A_151 = tpu.memref_slice %arg3[%multiple_of3A_123, %dma_start3A_150] : memref<160000x128xi32, #tpu.memory_space<hbm>> -> memref<40x128xi32, #tpu.memory_space<hbm>>
      %dma_start3A_152 = arith.constant 0 : i32
      %dma_start3A_153 = tpu.memref_slice %arg3[%multiple_of3A_123, %dma_start3A_152] : memref<160000x128xi32, #tpu.memory_space<hbm>> -> memref<40x128xi32, #tpu.memory_space<hbm>>
      tpu.enqueue_dma source(%dma_start3A_153 : memref<40x128xi32, #tpu.memory_space<hbm>>) target(%arg9 : memref<40x128xi32, #tpu.memory_space<vmem>>) target_semaphore(%arg14 : memref<!tpu.dma_semaphore, #tpu.memory_space<semaphore_mem>>)
      %dma_start3A_154 = arith.constant 1 : i32
      %dma_start3A_155 = arith.constant 1 : i32
      %dma_start3A_156 = arith.constant 0 : i32
      %dma_start3A_157 = arith.constant 0 : i32
      %dma_start3A_158 = tpu.memref_slice %arg10[%dma_start3A_156, %dma_start3A_157] : memref<80x128xf32, #tpu.memory_space<vmem>> -> memref<40x128xf32, #tpu.memory_space<vmem>>
      %dma_start3A_159 = arith.constant 0 : i32
      %dma_start3A_160 = tpu.memref_slice %arg7[%dma_start3A_154, %dma_start3A_155, %dma_start3A_159] : memref<2x4x40xi32, #tpu.memory_space<vmem>> -> memref<1x1x40xi32, #tpu.memory_space<vmem>>
      %dma_start3A_161 = tpu.memref_squeeze %dma_start3A_160 : memref<1x1x40xi32, #tpu.memory_space<vmem>> -> memref<40xi32, #tpu.memory_space<vmem>>
      %dma_start3A_162 = arith.constant 0 : i32
      %dma_start3A_163 = arith.constant 0 : i32
      %dma_start3A_164 = tpu.memref_slice %arg2[%dma_start3A_162, %dma_start3A_163] : memref<10000x128xf32, #tpu.memory_space<hbm>> -> memref<10000x128xf32, #tpu.memory_space<hbm>>
      tpu.enqueue_indirect_dma source(%dma_start3A_164 : memref<10000x128xf32, #tpu.memory_space<hbm>>) target(%dma_start3A_158 : memref<40x128xf32, #tpu.memory_space<vmem>>) offsets(%dma_start3A_161 : memref<40xi32, #tpu.memory_space<vmem>>) semaphore(%arg16 : memref<!tpu.dma_semaphore, #tpu.memory_space<semaphore_mem>>)
      %dma_start3A_165 = arith.constant 1 : i32
      %dma_start3A_166 = arith.constant 3 : i32
      %dma_start3A_167 = arith.constant 40 : i32
      %dma_start3A_168 = arith.constant 0 : i32
      %dma_start3A_169 = tpu.memref_slice %arg10[%dma_start3A_167, %dma_start3A_168] : memref<80x128xf32, #tpu.memory_space<vmem>> -> memref<40x128xf32, #tpu.memory_space<vmem>>
      %dma_start3A_170 = arith.constant 0 : i32
      %dma_start3A_171 = tpu.memref_slice %arg7[%dma_start3A_165, %dma_start3A_166, %dma_start3A_170] : memref<2x4x40xi32, #tpu.memory_space<vmem>> -> memref<1x1x40xi32, #tpu.memory_space<vmem>>
      %dma_start3A_172 = tpu.memref_squeeze %dma_start3A_171 : memref<1x1x40xi32, #tpu.memory_space<vmem>> -> memref<40xi32, #tpu.memory_space<vmem>>
      %dma_start3A_173 = arith.constant 0 : i32
      %dma_start3A_174 = arith.constant 0 : i32
      %dma_start3A_175 = tpu.memref_slice %arg2[%dma_start3A_173, %dma_start3A_174] : memref<10000x128xf32, #tpu.memory_space<hbm>> -> memref<10000x128xf32, #tpu.memory_space<hbm>>
      tpu.enqueue_indirect_dma source(%dma_start3A_175 : memref<10000x128xf32, #tpu.memory_space<hbm>>) target(%dma_start3A_169 : memref<40x128xf32, #tpu.memory_space<vmem>>) offsets(%dma_start3A_172 : memref<40xi32, #tpu.memory_space<vmem>>) semaphore(%arg16 : memref<!tpu.dma_semaphore, #tpu.memory_space<semaphore_mem>>)
      %dma_start3A_176 = arith.constant 0 : i32
      %dma_start3A_177 = tpu.memref_slice %arg3[%multiple_of3A_127, %dma_start3A_176] : memref<160000x128xi32, #tpu.memory_space<hbm>> -> memref<40x128xi32, #tpu.memory_space<hbm>>
      %dma_start3A_178 = arith.constant 0 : i32
      %dma_start3A_179 = tpu.memref_slice %arg3[%multiple_of3A_127, %dma_start3A_178] : memref<160000x128xi32, #tpu.memory_space<hbm>> -> memref<40x128xi32, #tpu.memory_space<hbm>>
      tpu.enqueue_dma source(%dma_start3A_179 : memref<40x128xi32, #tpu.memory_space<hbm>>) target(%arg11 : memref<40x128xi32, #tpu.memory_space<vmem>>) target_semaphore(%arg17 : memref<!tpu.dma_semaphore, #tpu.memory_space<semaphore_mem>>)
      %dma_wait3A_180 = arith.constant 0 : i32
      %dma_wait3A_181 = arith.constant 1 : i32
      %dma_wait3A_182 = arith.constant 0 : i32
      %dma_wait3A_183 = arith.constant 0 : i32
      %dma_wait3A_184 = tpu.memref_slice %arg8[%dma_wait3A_182, %dma_wait3A_183] : memref<80x128xf32, #tpu.memory_space<vmem>> -> memref<40x128xf32, #tpu.memory_space<vmem>>
      %dma_wait3A_185 = arith.constant 0 : i32
      %dma_wait3A_186 = tpu.memref_slice %arg7[%dma_wait3A_180, %dma_wait3A_181, %dma_wait3A_185] : memref<2x4x40xi32, #tpu.memory_space<vmem>> -> memref<1x1x40xi32, #tpu.memory_space<vmem>>
      %dma_wait3A_187 = tpu.memref_squeeze %dma_wait3A_186 : memref<1x1x40xi32, #tpu.memory_space<vmem>> -> memref<40xi32, #tpu.memory_space<vmem>>
      %dma_wait3A_188 = arith.constant 0 : i32
      %dma_wait3A_189 = arith.constant 0 : i32
      %dma_wait3A_190 = tpu.memref_slice %arg2[%dma_wait3A_188, %dma_wait3A_189] : memref<10000x128xf32, #tpu.memory_space<hbm>> -> memref<10000x128xf32, #tpu.memory_space<hbm>>
      tpu.wait_indirect_dma semaphore(%arg13 : memref<!tpu.dma_semaphore, #tpu.memory_space<semaphore_mem>>) src(%dma_wait3A_190 : memref<10000x128xf32, #tpu.memory_space<hbm>>) dst(%dma_wait3A_184 : memref<40x128xf32, #tpu.memory_space<vmem>>)
      %dma_wait3A_191 = arith.constant 0 : i32
      %dma_wait3A_192 = arith.constant 3 : i32
      %dma_wait3A_193 = arith.constant 40 : i32
      %dma_wait3A_194 = arith.constant 0 : i32
      %dma_wait3A_195 = tpu.memref_slice %arg8[%dma_wait3A_193, %dma_wait3A_194] : memref<80x128xf32, #tpu.memory_space<vmem>> -> memref<40x128xf32, #tpu.memory_space<vmem>>
      %dma_wait3A_196 = arith.constant 0 : i32
      %dma_wait3A_197 = tpu.memref_slice %arg7[%dma_wait3A_191, %dma_wait3A_192, %dma_wait3A_196] : memref<2x4x40xi32, #tpu.memory_space<vmem>> -> memref<1x1x40xi32, #tpu.memory_space<vmem>>
      %dma_wait3A_198 = tpu.memref_squeeze %dma_wait3A_197 : memref<1x1x40xi32, #tpu.memory_space<vmem>> -> memref<40xi32, #tpu.memory_space<vmem>>
      %dma_wait3A_199 = arith.constant 0 : i32
      %dma_wait3A_200 = arith.constant 0 : i32
      %dma_wait3A_201 = tpu.memref_slice %arg2[%dma_wait3A_199, %dma_wait3A_200] : memref<10000x128xf32, #tpu.memory_space<hbm>> -> memref<10000x128xf32, #tpu.memory_space<hbm>>
      tpu.wait_indirect_dma semaphore(%arg13 : memref<!tpu.dma_semaphore, #tpu.memory_space<semaphore_mem>>) src(%dma_wait3A_201 : memref<10000x128xf32, #tpu.memory_space<hbm>>) dst(%dma_wait3A_195 : memref<40x128xf32, #tpu.memory_space<vmem>>)
      %dma_wait3A_202 = arith.constant 0 : i32
      %dma_wait3A_203 = tpu.memref_slice %arg3[%multiple_of3A_123, %dma_wait3A_202] : memref<160000x128xi32, #tpu.memory_space<hbm>> -> memref<40x128xi32, #tpu.memory_space<hbm>>
      %dma_wait3A_204 = arith.constant 0 : i32
      %dma_wait3A_205 = tpu.memref_slice %arg3[%multiple_of3A_123, %dma_wait3A_204] : memref<160000x128xi32, #tpu.memory_space<hbm>> -> memref<40x128xi32, #tpu.memory_space<hbm>>
      tpu.wait_dma2 semaphore(%arg14 : memref<!tpu.dma_semaphore, #tpu.memory_space<semaphore_mem>>) src(%dma_wait3A_205 : memref<40x128xi32, #tpu.memory_space<hbm>>) dst(%arg9 : memref<40x128xi32, #tpu.memory_space<vmem>>)
      %scan3A_206 = arith.constant 0 : i32
      %scan3A_207 = arith.constant 0 : i32
      %scan3A_208 = arith.constant 40 : i32
      %scan3A_209 = arith.addi %scan3A_207, %scan3A_208 : i32
      %scan3A_210 = arith.constant 1 : i32
      scf.for %scan3A_332 = %scan3A_207 to %scan3A_209 step %scan3A_210  : i32 {
        %get3A = arith.index_cast %scan3A_332 : i32 to index
        %get3A_333 = arith.constant 0 : index
        %get3A_334 = tpu.vector_load %arg9[%get3A, %get3A_333] {strides = array<i32>} : memref<40x128xi32, #tpu.memory_space<vmem>>, vector<1x16xi32>,
        %get3A_335 = vector.shape_cast %get3A_334 : vector<1x16xi32> to vector<16xi32>
        %shift_left3A = arith.constant 16 : i32
        %shift_left3A_336 = vector.broadcast %shift_left3A : i32 to vector<16xi32>
        %shift_left3A_337 = arith.shli %get3A_335, %shift_left3A_336 : vector<16xi32>
        %bitcast_convert_type3A = tpu.bitcast %shift_left3A_337 : vector<16xi32> -> vector<16xf32>
        %and3A = arith.constant -65536 : i32
        %and3A_338 = vector.broadcast %and3A : i32 to vector<16xi32>
        %and3A_339 = arith.andi %get3A_335, %and3A_338 : vector<16xi32>
        %bitcast_convert_type3A_340 = tpu.bitcast %and3A_339 : vector<16xi32> -> vector<16xf32>
        %get3A_341 = arith.index_cast %scan3A_332 : i32 to index
        %get3A_342 = arith.constant 0 : index
        %get3A_343 = tpu.vector_load %arg8[%get3A_341, %get3A_342] {strides = array<i32>} : memref<80x128xf32, #tpu.memory_space<vmem>>, vector<1x16xf32>,
        %get3A_344 = vector.shape_cast %get3A_343 : vector<1x16xf32> to vector<16xf32>
        %mul3A_345 = arith.mulf %get3A_344, %bitcast_convert_type3A : vector<16xf32>
        %swap3A = arith.index_cast %scan3A_332 : i32 to index
        %swap3A_346 = arith.constant 0 : index
        %swap3A_347 = tpu.vector_load %arg8[%swap3A, %swap3A_346] {strides = array<i32>} : memref<80x128xf32, #tpu.memory_space<vmem>>, vector<1x16xf32>,
        %swap3A_348 = vector.shape_cast %swap3A_347 : vector<1x16xf32> to vector<16xf32>
        %swap3A_349 = vector.shape_cast %mul3A_345 : vector<16xf32> to vector<1x16xf32>
        tpu.vector_store %arg8[%swap3A, %swap3A_346], %swap3A_349 {strides = array<i32>} : memref<80x128xf32, #tpu.memory_space<vmem>>, vector<1x16xf32>,
        %add3A_350 = arith.constant 40 : i32
        %add3A_351 = arith.addi %add3A_350, %scan3A_332 : i32
        %get3A_352 = arith.index_cast %add3A_351 : i32 to index
        %get3A_353 = arith.constant 0 : index
        %get3A_354 = tpu.vector_load %arg8[%get3A_352, %get3A_353] {strides = array<i32>} : memref<80x128xf32, #tpu.memory_space<vmem>>, vector<1x16xf32>,
        %get3A_355 = vector.shape_cast %get3A_354 : vector<1x16xf32> to vector<16xf32>
        %mul3A_356 = arith.mulf %get3A_355, %bitcast_convert_type3A_340 : vector<16xf32>
        %add3A_357 = arith.constant 40 : i32
        %add3A_358 = arith.addi %add3A_357, %scan3A_332 : i32
        %swap3A_359 = arith.index_cast %add3A_358 : i32 to index
        %swap3A_360 = arith.constant 0 : index
        %swap3A_361 = tpu.vector_load %arg8[%swap3A_359, %swap3A_360] {strides = array<i32>} : memref<80x128xf32, #tpu.memory_space<vmem>>, vector<1x16xf32>,
        %swap3A_362 = vector.shape_cast %swap3A_361 : vector<1x16xf32> to vector<16xf32>
        %swap3A_363 = vector.shape_cast %mul3A_356 : vector<16xf32> to vector<1x16xf32>
        tpu.vector_store %arg8[%swap3A_359, %swap3A_360], %swap3A_363 {strides = array<i32>} : memref<80x128xf32, #tpu.memory_space<vmem>>, vector<1x16xf32>,
        %get3A_364 = arith.index_cast %scan3A_332 : i32 to index
        %get3A_365 = arith.constant 16 : index
        %get3A_366 = tpu.vector_load %arg9[%get3A_364, %get3A_365] {strides = array<i32>} : memref<40x128xi32, #tpu.memory_space<vmem>>, vector<1x16xi32>,
        %get3A_367 = vector.shape_cast %get3A_366 : vector<1x16xi32> to vector<16xi32>
        %shift_left3A_368 = arith.constant 16 : i32
        %shift_left3A_369 = vector.broadcast %shift_left3A_368 : i32 to vector<16xi32>
        %shift_left3A_370 = arith.shli %get3A_367, %shift_left3A_369 : vector<16xi32>
        %bitcast_convert_type3A_371 = tpu.bitcast %shift_left3A_370 : vector<16xi32> -> vector<16xf32>
        %and3A_372 = arith.constant -65536 : i32
        %and3A_373 = vector.broadcast %and3A_372 : i32 to vector<16xi32>
        %and3A_374 = arith.andi %get3A_367, %and3A_373 : vector<16xi32>
        %bitcast_convert_type3A_375 = tpu.bitcast %and3A_374 : vector<16xi32> -> vector<16xf32>
        %get3A_376 = arith.index_cast %scan3A_332 : i32 to index
        %get3A_377 = arith.constant 16 : index
        %get3A_378 = tpu.vector_load %arg8[%get3A_376, %get3A_377] {strides = array<i32>} : memref<80x128xf32, #tpu.memory_space<vmem>>, vector<1x16xf32>,
        %get3A_379 = vector.shape_cast %get3A_378 : vector<1x16xf32> to vector<16xf32>
        %mul3A_380 = arith.mulf %get3A_379, %bitcast_convert_type3A_371 : vector<16xf32>
        %swap3A_381 = arith.index_cast %scan3A_332 : i32 to index
        %swap3A_382 = arith.constant 16 : index
        %swap3A_383 = tpu.vector_load %arg8[%swap3A_381, %swap3A_382] {strides = array<i32>} : memref<80x128xf32, #tpu.memory_space<vmem>>, vector<1x16xf32>,
        %swap3A_384 = vector.shape_cast %swap3A_383 : vector<1x16xf32> to vector<16xf32>
        %swap3A_385 = vector.shape_cast %mul3A_380 : vector<16xf32> to vector<1x16xf32>
        tpu.vector_store %arg8[%swap3A_381, %swap3A_382], %swap3A_385 {strides = array<i32>} : memref<80x128xf32, #tpu.memory_space<vmem>>, vector<1x16xf32>,
        %add3A_386 = arith.constant 40 : i32
        %add3A_387 = arith.addi %add3A_386, %scan3A_332 : i32
        %get3A_388 = arith.index_cast %add3A_387 : i32 to index
        %get3A_389 = arith.constant 16 : index
        %get3A_390 = tpu.vector_load %arg8[%get3A_388, %get3A_389] {strides = array<i32>} : memref<80x128xf32, #tpu.memory_space<vmem>>, vector<1x16xf32>,
        %get3A_391 = vector.shape_cast %get3A_390 : vector<1x16xf32> to vector<16xf32>
        %mul3A_392 = arith.mulf %get3A_391, %bitcast_convert_type3A_375 : vector<16xf32>
        %add3A_393 = arith.constant 40 : i32
        %add3A_394 = arith.addi %add3A_393, %scan3A_332 : i32
        %swap3A_395 = arith.index_cast %add3A_394 : i32 to index
        %swap3A_396 = arith.constant 16 : index
        %swap3A_397 = tpu.vector_load %arg8[%swap3A_395, %swap3A_396] {strides = array<i32>} : memref<80x128xf32, #tpu.memory_space<vmem>>, vector<1x16xf32>,
        %swap3A_398 = vector.shape_cast %swap3A_397 : vector<1x16xf32> to vector<16xf32>
        %swap3A_399 = vector.shape_cast %mul3A_392 : vector<16xf32> to vector<1x16xf32>
        tpu.vector_store %arg8[%swap3A_395, %swap3A_396], %swap3A_399 {strides = array<i32>} : memref<80x128xf32, #tpu.memory_space<vmem>>, vector<1x16xf32>,
        %get3A_400 = arith.index_cast %scan3A_332 : i32 to index
        %get3A_401 = arith.constant 32 : index
        %get3A_402 = tpu.vector_load %arg9[%get3A_400, %get3A_401] {strides = array<i32>} : memref<40x128xi32, #tpu.memory_space<vmem>>, vector<1x16xi32>,
        %get3A_403 = vector.shape_cast %get3A_402 : vector<1x16xi32> to vector<16xi32>
        %shift_left3A_404 = arith.constant 16 : i32
        %shift_left3A_405 = vector.broadcast %shift_left3A_404 : i32 to vector<16xi32>
        %shift_left3A_406 = arith.shli %get3A_403, %shift_left3A_405 : vector<16xi32>
        %bitcast_convert_type3A_407 = tpu.bitcast %shift_left3A_406 : vector<16xi32> -> vector<16xf32>
        %and3A_408 = arith.constant -65536 : i32
        %and3A_409 = vector.broadcast %and3A_408 : i32 to vector<16xi32>
        %and3A_410 = arith.andi %get3A_403, %and3A_409 : vector<16xi32>
        %bitcast_convert_type3A_411 = tpu.bitcast %and3A_410 : vector<16xi32> -> vector<16xf32>
        %get3A_412 = arith.index_cast %scan3A_332 : i32 to index
        %get3A_413 = arith.constant 32 : index
        %get3A_414 = tpu.vector_load %arg8[%get3A_412, %get3A_413] {strides = array<i32>} : memref<80x128xf32, #tpu.memory_space<vmem>>, vector<1x16xf32>,
        %get3A_415 = vector.shape_cast %get3A_414 : vector<1x16xf32> to vector<16xf32>
        %mul3A_416 = arith.mulf %get3A_415, %bitcast_convert_type3A_407 : vector<16xf32>
        %swap3A_417 = arith.index_cast %scan3A_332 : i32 to index
        %swap3A_418 = arith.constant 32 : index
        %swap3A_419 = tpu.vector_load %arg8[%swap3A_417, %swap3A_418] {strides = array<i32>} : memref<80x128xf32, #tpu.memory_space<vmem>>, vector<1x16xf32>,
        %swap3A_420 = vector.shape_cast %swap3A_419 : vector<1x16xf32> to vector<16xf32>
        %swap3A_421 = vector.shape_cast %mul3A_416 : vector<16xf32> to vector<1x16xf32>
        tpu.vector_store %arg8[%swap3A_417, %swap3A_418], %swap3A_421 {strides = array<i32>} : memref<80x128xf32, #tpu.memory_space<vmem>>, vector<1x16xf32>,
        %add3A_422 = arith.constant 40 : i32
        %add3A_423 = arith.addi %add3A_422, %scan3A_332 : i32
        %get3A_424 = arith.index_cast %add3A_423 : i32 to index
        %get3A_425 = arith.constant 32 : index
        %get3A_426 = tpu.vector_load %arg8[%get3A_424, %get3A_425] {strides = array<i32>} : memref<80x128xf32, #tpu.memory_space<vmem>>, vector<1x16xf32>,
        %get3A_427 = vector.shape_cast %get3A_426 : vector<1x16xf32> to vector<16xf32>
        %mul3A_428 = arith.mulf %get3A_427, %bitcast_convert_type3A_411 : vector<16xf32>
        %add3A_429 = arith.constant 40 : i32
        %add3A_430 = arith.addi %add3A_429, %scan3A_332 : i32
        %swap3A_431 = arith.index_cast %add3A_430 : i32 to index
        %swap3A_432 = arith.constant 32 : index
        %swap3A_433 = tpu.vector_load %arg8[%swap3A_431, %swap3A_432] {strides = array<i32>} : memref<80x128xf32, #tpu.memory_space<vmem>>, vector<1x16xf32>,
        %swap3A_434 = vector.shape_cast %swap3A_433 : vector<1x16xf32> to vector<16xf32>
        %swap3A_435 = vector.shape_cast %mul3A_428 : vector<16xf32> to vector<1x16xf32>
        tpu.vector_store %arg8[%swap3A_431, %swap3A_432], %swap3A_435 {strides = array<i32>} : memref<80x128xf32, #tpu.memory_space<vmem>>, vector<1x16xf32>,
        %get3A_436 = arith.index_cast %scan3A_332 : i32 to index
        %get3A_437 = arith.constant 48 : index
        %get3A_438 = tpu.vector_load %arg9[%get3A_436, %get3A_437] {strides = array<i32>} : memref<40x128xi32, #tpu.memory_space<vmem>>, vector<1x16xi32>,
        %get3A_439 = vector.shape_cast %get3A_438 : vector<1x16xi32> to vector<16xi32>
        %shift_left3A_440 = arith.constant 16 : i32
        %shift_left3A_441 = vector.broadcast %shift_left3A_440 : i32 to vector<16xi32>
        %shift_left3A_442 = arith.shli %get3A_439, %shift_left3A_441 : vector<16xi32>
        %bitcast_convert_type3A_443 = tpu.bitcast %shift_left3A_442 : vector<16xi32> -> vector<16xf32>
        %and3A_444 = arith.constant -65536 : i32
        %and3A_445 = vector.broadcast %and3A_444 : i32 to vector<16xi32>
        %and3A_446 = arith.andi %get3A_439, %and3A_445 : vector<16xi32>
        %bitcast_convert_type3A_447 = tpu.bitcast %and3A_446 : vector<16xi32> -> vector<16xf32>
        %get3A_448 = arith.index_cast %scan3A_332 : i32 to index
        %get3A_449 = arith.constant 48 : index
        %get3A_450 = tpu.vector_load %arg8[%get3A_448, %get3A_449] {strides = array<i32>} : memref<80x128xf32, #tpu.memory_space<vmem>>, vector<1x16xf32>,
        %get3A_451 = vector.shape_cast %get3A_450 : vector<1x16xf32> to vector<16xf32>
        %mul3A_452 = arith.mulf %get3A_451, %bitcast_convert_type3A_443 : vector<16xf32>
        %swap3A_453 = arith.index_cast %scan3A_332 : i32 to index
        %swap3A_454 = arith.constant 48 : index
        %swap3A_455 = tpu.vector_load %arg8[%swap3A_453, %swap3A_454] {strides = array<i32>} : memref<80x128xf32, #tpu.memory_space<vmem>>, vector<1x16xf32>,
        %swap3A_456 = vector.shape_cast %swap3A_455 : vector<1x16xf32> to vector<16xf32>
        %swap3A_457 = vector.shape_cast %mul3A_452 : vector<16xf32> to vector<1x16xf32>
        tpu.vector_store %arg8[%swap3A_453, %swap3A_454], %swap3A_457 {strides = array<i32>} : memref<80x128xf32, #tpu.memory_space<vmem>>, vector<1x16xf32>,
        %add3A_458 = arith.constant 40 : i32
        %add3A_459 = arith.addi %add3A_458, %scan3A_332 : i32
        %get3A_460 = arith.index_cast %add3A_459 : i32 to index
        %get3A_461 = arith.constant 48 : index
        %get3A_462 = tpu.vector_load %arg8[%get3A_460, %get3A_461] {strides = array<i32>} : memref<80x128xf32, #tpu.memory_space<vmem>>, vector<1x16xf32>,
        %get3A_463 = vector.shape_cast %get3A_462 : vector<1x16xf32> to vector<16xf32>
        %mul3A_464 = arith.mulf %get3A_463, %bitcast_convert_type3A_447 : vector<16xf32>
        %add3A_465 = arith.constant 40 : i32
        %add3A_466 = arith.addi %add3A_465, %scan3A_332 : i32
        %swap3A_467 = arith.index_cast %add3A_466 : i32 to index
        %swap3A_468 = arith.constant 48 : index
        %swap3A_469 = tpu.vector_load %arg8[%swap3A_467, %swap3A_468] {strides = array<i32>} : memref<80x128xf32, #tpu.memory_space<vmem>>, vector<1x16xf32>,
        %swap3A_470 = vector.shape_cast %swap3A_469 : vector<1x16xf32> to vector<16xf32>
        %swap3A_471 = vector.shape_cast %mul3A_464 : vector<16xf32> to vector<1x16xf32>
        tpu.vector_store %arg8[%swap3A_467, %swap3A_468], %swap3A_471 {strides = array<i32>} : memref<80x128xf32, #tpu.memory_space<vmem>>, vector<1x16xf32>,
        %get3A_472 = arith.index_cast %scan3A_332 : i32 to index
        %get3A_473 = arith.constant 64 : index
        %get3A_474 = tpu.vector_load %arg9[%get3A_472, %get3A_473] {strides = array<i32>} : memref<40x128xi32, #tpu.memory_space<vmem>>, vector<1x16xi32>,
        %get3A_475 = vector.shape_cast %get3A_474 : vector<1x16xi32> to vector<16xi32>
        %shift_left3A_476 = arith.constant 16 : i32
        %shift_left3A_477 = vector.broadcast %shift_left3A_476 : i32 to vector<16xi32>
        %shift_left3A_478 = arith.shli %get3A_475, %shift_left3A_477 : vector<16xi32>
        %bitcast_convert_type3A_479 = tpu.bitcast %shift_left3A_478 : vector<16xi32> -> vector<16xf32>
        %and3A_480 = arith.constant -65536 : i32
        %and3A_481 = vector.broadcast %and3A_480 : i32 to vector<16xi32>
        %and3A_482 = arith.andi %get3A_475, %and3A_481 : vector<16xi32>
        %bitcast_convert_type3A_483 = tpu.bitcast %and3A_482 : vector<16xi32> -> vector<16xf32>
        %get3A_484 = arith.index_cast %scan3A_332 : i32 to index
        %get3A_485 = arith.constant 64 : index
        %get3A_486 = tpu.vector_load %arg8[%get3A_484, %get3A_485] {strides = array<i32>} : memref<80x128xf32, #tpu.memory_space<vmem>>, vector<1x16xf32>,
        %get3A_487 = vector.shape_cast %get3A_486 : vector<1x16xf32> to vector<16xf32>
        %mul3A_488 = arith.mulf %get3A_487, %bitcast_convert_type3A_479 : vector<16xf32>
        %swap3A_489 = arith.index_cast %scan3A_332 : i32 to index
        %swap3A_490 = arith.constant 64 : index
        %swap3A_491 = tpu.vector_load %arg8[%swap3A_489, %swap3A_490] {strides = array<i32>} : memref<80x128xf32, #tpu.memory_space<vmem>>, vector<1x16xf32>,
        %swap3A_492 = vector.shape_cast %swap3A_491 : vector<1x16xf32> to vector<16xf32>
        %swap3A_493 = vector.shape_cast %mul3A_488 : vector<16xf32> to vector<1x16xf32>
        tpu.vector_store %arg8[%swap3A_489, %swap3A_490], %swap3A_493 {strides = array<i32>} : memref<80x128xf32, #tpu.memory_space<vmem>>, vector<1x16xf32>,
        %add3A_494 = arith.constant 40 : i32
        %add3A_495 = arith.addi %add3A_494, %scan3A_332 : i32
        %get3A_496 = arith.index_cast %add3A_495 : i32 to index
        %get3A_497 = arith.constant 64 : index
        %get3A_498 = tpu.vector_load %arg8[%get3A_496, %get3A_497] {strides = array<i32>} : memref<80x128xf32, #tpu.memory_space<vmem>>, vector<1x16xf32>,
        %get3A_499 = vector.shape_cast %get3A_498 : vector<1x16xf32> to vector<16xf32>
        %mul3A_500 = arith.mulf %get3A_499, %bitcast_convert_type3A_483 : vector<16xf32>
        %add3A_501 = arith.constant 40 : i32
        %add3A_502 = arith.addi %add3A_501, %scan3A_332 : i32
        %swap3A_503 = arith.index_cast %add3A_502 : i32 to index
        %swap3A_504 = arith.constant 64 : index
        %swap3A_505 = tpu.vector_load %arg8[%swap3A_503, %swap3A_504] {strides = array<i32>} : memref<80x128xf32, #tpu.memory_space<vmem>>, vector<1x16xf32>,
        %swap3A_506 = vector.shape_cast %swap3A_505 : vector<1x16xf32> to vector<16xf32>
        %swap3A_507 = vector.shape_cast %mul3A_500 : vector<16xf32> to vector<1x16xf32>
        tpu.vector_store %arg8[%swap3A_503, %swap3A_504], %swap3A_507 {strides = array<i32>} : memref<80x128xf32, #tpu.memory_space<vmem>>, vector<1x16xf32>,
        %get3A_508 = arith.index_cast %scan3A_332 : i32 to index
        %get3A_509 = arith.constant 80 : index
        %get3A_510 = tpu.vector_load %arg9[%get3A_508, %get3A_509] {strides = array<i32>} : memref<40x128xi32, #tpu.memory_space<vmem>>, vector<1x16xi32>,
        %get3A_511 = vector.shape_cast %get3A_510 : vector<1x16xi32> to vector<16xi32>
        %shift_left3A_512 = arith.constant 16 : i32
        %shift_left3A_513 = vector.broadcast %shift_left3A_512 : i32 to vector<16xi32>
        %shift_left3A_514 = arith.shli %get3A_511, %shift_left3A_513 : vector<16xi32>
        %bitcast_convert_type3A_515 = tpu.bitcast %shift_left3A_514 : vector<16xi32> -> vector<16xf32>
        %and3A_516 = arith.constant -65536 : i32
        %and3A_517 = vector.broadcast %and3A_516 : i32 to vector<16xi32>
        %and3A_518 = arith.andi %get3A_511, %and3A_517 : vector<16xi32>
        %bitcast_convert_type3A_519 = tpu.bitcast %and3A_518 : vector<16xi32> -> vector<16xf32>
        %get3A_520 = arith.index_cast %scan3A_332 : i32 to index
        %get3A_521 = arith.constant 80 : index
        %get3A_522 = tpu.vector_load %arg8[%get3A_520, %get3A_521] {strides = array<i32>} : memref<80x128xf32, #tpu.memory_space<vmem>>, vector<1x16xf32>,
        %get3A_523 = vector.shape_cast %get3A_522 : vector<1x16xf32> to vector<16xf32>
        %mul3A_524 = arith.mulf %get3A_523, %bitcast_convert_type3A_515 : vector<16xf32>
        %swap3A_525 = arith.index_cast %scan3A_332 : i32 to index
        %swap3A_526 = arith.constant 80 : index
        %swap3A_527 = tpu.vector_load %arg8[%swap3A_525, %swap3A_526] {strides = array<i32>} : memref<80x128xf32, #tpu.memory_space<vmem>>, vector<1x16xf32>,
        %swap3A_528 = vector.shape_cast %swap3A_527 : vector<1x16xf32> to vector<16xf32>
        %swap3A_529 = vector.shape_cast %mul3A_524 : vector<16xf32> to vector<1x16xf32>
        tpu.vector_store %arg8[%swap3A_525, %swap3A_526], %swap3A_529 {strides = array<i32>} : memref<80x128xf32, #tpu.memory_space<vmem>>, vector<1x16xf32>,
        %add3A_530 = arith.constant 40 : i32
        %add3A_531 = arith.addi %add3A_530, %scan3A_332 : i32
        %get3A_532 = arith.index_cast %add3A_531 : i32 to index
        %get3A_533 = arith.constant 80 : index
        %get3A_534 = tpu.vector_load %arg8[%get3A_532, %get3A_533] {strides = array<i32>} : memref<80x128xf32, #tpu.memory_space<vmem>>, vector<1x16xf32>,
        %get3A_535 = vector.shape_cast %get3A_534 : vector<1x16xf32> to vector<16xf32>
        %mul3A_536 = arith.mulf %get3A_535, %bitcast_convert_type3A_519 : vector<16xf32>
        %add3A_537 = arith.constant 40 : i32
        %add3A_538 = arith.addi %add3A_537, %scan3A_332 : i32
        %swap3A_539 = arith.index_cast %add3A_538 : i32 to index
        %swap3A_540 = arith.constant 80 : index
        %swap3A_541 = tpu.vector_load %arg8[%swap3A_539, %swap3A_540] {strides = array<i32>} : memref<80x128xf32, #tpu.memory_space<vmem>>, vector<1x16xf32>,
        %swap3A_542 = vector.shape_cast %swap3A_541 : vector<1x16xf32> to vector<16xf32>
        %swap3A_543 = vector.shape_cast %mul3A_536 : vector<16xf32> to vector<1x16xf32>
        tpu.vector_store %arg8[%swap3A_539, %swap3A_540], %swap3A_543 {strides = array<i32>} : memref<80x128xf32, #tpu.memory_space<vmem>>, vector<1x16xf32>,
        %get3A_544 = arith.index_cast %scan3A_332 : i32 to index
        %get3A_545 = arith.constant 96 : index
        %get3A_546 = tpu.vector_load %arg9[%get3A_544, %get3A_545] {strides = array<i32>} : memref<40x128xi32, #tpu.memory_space<vmem>>, vector<1x16xi32>,
        %get3A_547 = vector.shape_cast %get3A_546 : vector<1x16xi32> to vector<16xi32>
        %shift_left3A_548 = arith.constant 16 : i32
        %shift_left3A_549 = vector.broadcast %shift_left3A_548 : i32 to vector<16xi32>
        %shift_left3A_550 = arith.shli %get3A_547, %shift_left3A_549 : vector<16xi32>
        %bitcast_convert_type3A_551 = tpu.bitcast %shift_left3A_550 : vector<16xi32> -> vector<16xf32>
        %and3A_552 = arith.constant -65536 : i32
        %and3A_553 = vector.broadcast %and3A_552 : i32 to vector<16xi32>
        %and3A_554 = arith.andi %get3A_547, %and3A_553 : vector<16xi32>
        %bitcast_convert_type3A_555 = tpu.bitcast %and3A_554 : vector<16xi32> -> vector<16xf32>
        %get3A_556 = arith.index_cast %scan3A_332 : i32 to index
        %get3A_557 = arith.constant 96 : index
        %get3A_558 = tpu.vector_load %arg8[%get3A_556, %get3A_557] {strides = array<i32>} : memref<80x128xf32, #tpu.memory_space<vmem>>, vector<1x16xf32>,
        %get3A_559 = vector.shape_cast %get3A_558 : vector<1x16xf32> to vector<16xf32>
        %mul3A_560 = arith.mulf %get3A_559, %bitcast_convert_type3A_551 : vector<16xf32>
        %swap3A_561 = arith.index_cast %scan3A_332 : i32 to index
        %swap3A_562 = arith.constant 96 : index
        %swap3A_563 = tpu.vector_load %arg8[%swap3A_561, %swap3A_562] {strides = array<i32>} : memref<80x128xf32, #tpu.memory_space<vmem>>, vector<1x16xf32>,
        %swap3A_564 = vector.shape_cast %swap3A_563 : vector<1x16xf32> to vector<16xf32>
        %swap3A_565 = vector.shape_cast %mul3A_560 : vector<16xf32> to vector<1x16xf32>
        tpu.vector_store %arg8[%swap3A_561, %swap3A_562], %swap3A_565 {strides = array<i32>} : memref<80x128xf32, #tpu.memory_space<vmem>>, vector<1x16xf32>,
        %add3A_566 = arith.constant 40 : i32
        %add3A_567 = arith.addi %add3A_566, %scan3A_332 : i32
        %get3A_568 = arith.index_cast %add3A_567 : i32 to index
        %get3A_569 = arith.constant 96 : index
        %get3A_570 = tpu.vector_load %arg8[%get3A_568, %get3A_569] {strides = array<i32>} : memref<80x128xf32, #tpu.memory_space<vmem>>, vector<1x16xf32>,
        %get3A_571 = vector.shape_cast %get3A_570 : vector<1x16xf32> to vector<16xf32>
        %mul3A_572 = arith.mulf %get3A_571, %bitcast_convert_type3A_555 : vector<16xf32>
        %add3A_573 = arith.constant 40 : i32
        %add3A_574 = arith.addi %add3A_573, %scan3A_332 : i32
        %swap3A_575 = arith.index_cast %add3A_574 : i32 to index
        %swap3A_576 = arith.constant 96 : index
        %swap3A_577 = tpu.vector_load %arg8[%swap3A_575, %swap3A_576] {strides = array<i32>} : memref<80x128xf32, #tpu.memory_space<vmem>>, vector<1x16xf32>,
        %swap3A_578 = vector.shape_cast %swap3A_577 : vector<1x16xf32> to vector<16xf32>
        %swap3A_579 = vector.shape_cast %mul3A_572 : vector<16xf32> to vector<1x16xf32>
        tpu.vector_store %arg8[%swap3A_575, %swap3A_576], %swap3A_579 {strides = array<i32>} : memref<80x128xf32, #tpu.memory_space<vmem>>, vector<1x16xf32>,
        %get3A_580 = arith.index_cast %scan3A_332 : i32 to index
        %get3A_581 = arith.constant 112 : index
        %get3A_582 = tpu.vector_load %arg9[%get3A_580, %get3A_581] {strides = array<i32>} : memref<40x128xi32, #tpu.memory_space<vmem>>, vector<1x16xi32>,
        %get3A_583 = vector.shape_cast %get3A_582 : vector<1x16xi32> to vector<16xi32>
        %shift_left3A_584 = arith.constant 16 : i32
        %shift_left3A_585 = vector.broadcast %shift_left3A_584 : i32 to vector<16xi32>
        %shift_left3A_586 = arith.shli %get3A_583, %shift_left3A_585 : vector<16xi32>
        %bitcast_convert_type3A_587 = tpu.bitcast %shift_left3A_586 : vector<16xi32> -> vector<16xf32>
        %and3A_588 = arith.constant -65536 : i32
        %and3A_589 = vector.broadcast %and3A_588 : i32 to vector<16xi32>
        %and3A_590 = arith.andi %get3A_583, %and3A_589 : vector<16xi32>
        %bitcast_convert_type3A_591 = tpu.bitcast %and3A_590 : vector<16xi32> -> vector<16xf32>
        %get3A_592 = arith.index_cast %scan3A_332 : i32 to index
        %get3A_593 = arith.constant 112 : index
        %get3A_594 = tpu.vector_load %arg8[%get3A_592, %get3A_593] {strides = array<i32>} : memref<80x128xf32, #tpu.memory_space<vmem>>, vector<1x16xf32>,
        %get3A_595 = vector.shape_cast %get3A_594 : vector<1x16xf32> to vector<16xf32>
        %mul3A_596 = arith.mulf %get3A_595, %bitcast_convert_type3A_587 : vector<16xf32>
        %swap3A_597 = arith.index_cast %scan3A_332 : i32 to index
        %swap3A_598 = arith.constant 112 : index
        %swap3A_599 = tpu.vector_load %arg8[%swap3A_597, %swap3A_598] {strides = array<i32>} : memref<80x128xf32, #tpu.memory_space<vmem>>, vector<1x16xf32>,
        %swap3A_600 = vector.shape_cast %swap3A_599 : vector<1x16xf32> to vector<16xf32>
        %swap3A_601 = vector.shape_cast %mul3A_596 : vector<16xf32> to vector<1x16xf32>
        tpu.vector_store %arg8[%swap3A_597, %swap3A_598], %swap3A_601 {strides = array<i32>} : memref<80x128xf32, #tpu.memory_space<vmem>>, vector<1x16xf32>,
        %add3A_602 = arith.constant 40 : i32
        %add3A_603 = arith.addi %add3A_602, %scan3A_332 : i32
        %get3A_604 = arith.index_cast %add3A_603 : i32 to index
        %get3A_605 = arith.constant 112 : index
        %get3A_606 = tpu.vector_load %arg8[%get3A_604, %get3A_605] {strides = array<i32>} : memref<80x128xf32, #tpu.memory_space<vmem>>, vector<1x16xf32>,
        %get3A_607 = vector.shape_cast %get3A_606 : vector<1x16xf32> to vector<16xf32>
        %mul3A_608 = arith.mulf %get3A_607, %bitcast_convert_type3A_591 : vector<16xf32>
        %add3A_609 = arith.constant 40 : i32
        %add3A_610 = arith.addi %add3A_609, %scan3A_332 : i32
        %swap3A_611 = arith.index_cast %add3A_610 : i32 to index
        %swap3A_612 = arith.constant 112 : index
        %swap3A_613 = tpu.vector_load %arg8[%swap3A_611, %swap3A_612] {strides = array<i32>} : memref<80x128xf32, #tpu.memory_space<vmem>>, vector<1x16xf32>,
        %swap3A_614 = vector.shape_cast %swap3A_613 : vector<1x16xf32> to vector<16xf32>
        %swap3A_615 = vector.shape_cast %mul3A_608 : vector<16xf32> to vector<1x16xf32>
        tpu.vector_store %arg8[%swap3A_611, %swap3A_612], %swap3A_615 {strides = array<i32>} : memref<80x128xf32, #tpu.memory_space<vmem>>, vector<1x16xf32>,
      }
      %scan3A_211 = arith.constant 40 : i32
      %dma_start3A_212 = arith.constant 0 : i32
      %dma_start3A_213 = arith.constant 0 : i32
      %dma_start3A_214 = arith.constant 0 : i32
      %dma_start3A_215 = arith.constant 0 : i32
      %dma_start3A_216 = tpu.memref_slice %arg8[%dma_start3A_214, %dma_start3A_215] : memref<80x128xf32, #tpu.memory_space<vmem>> -> memref<40x128xf32, #tpu.memory_space<vmem>>
      %dma_start3A_217 = arith.constant 0 : i32
      %dma_start3A_218 = tpu.memref_slice %arg7[%dma_start3A_212, %dma_start3A_213, %dma_start3A_217] : memref<2x4x40xi32, #tpu.memory_space<vmem>> -> memref<1x1x40xi32, #tpu.memory_space<vmem>>
      %dma_start3A_219 = tpu.memref_squeeze %dma_start3A_218 : memref<1x1x40xi32, #tpu.memory_space<vmem>> -> memref<40xi32, #tpu.memory_space<vmem>>
      %dma_start3A_220 = arith.constant 0 : i32
      %dma_start3A_221 = arith.constant 0 : i32
      %dma_start3A_222 = tpu.memref_slice %arg12[%dma_start3A_220, %dma_start3A_221] : memref<10240x128xf32, #tpu.memory_space<vmem_shared>> -> memref<10240x128xf32, #tpu.memory_space<vmem_shared>>
      tpu.enqueue_indirect_dma source(%dma_start3A_216 : memref<40x128xf32, #tpu.memory_space<vmem>>) target(%dma_start3A_222 : memref<10240x128xf32, #tpu.memory_space<vmem_shared>>) offsets(%dma_start3A_219 : memref<40xi32, #tpu.memory_space<vmem>>) semaphore(%arg15 : memref<!tpu.dma_semaphore, #tpu.memory_space<semaphore_mem>>) {add = true}
      %dma_start3A_223 = arith.constant 0 : i32
      %dma_start3A_224 = arith.constant 2 : i32
      %dma_start3A_225 = arith.constant 40 : i32
      %dma_start3A_226 = arith.constant 0 : i32
      %dma_start3A_227 = tpu.memref_slice %arg8[%dma_start3A_225, %dma_start3A_226] : memref<80x128xf32, #tpu.memory_space<vmem>> -> memref<40x128xf32, #tpu.memory_space<vmem>>
      %dma_start3A_228 = arith.constant 0 : i32
      %dma_start3A_229 = tpu.memref_slice %arg7[%dma_start3A_223, %dma_start3A_224, %dma_start3A_228] : memref<2x4x40xi32, #tpu.memory_space<vmem>> -> memref<1x1x40xi32, #tpu.memory_space<vmem>>
      %dma_start3A_230 = tpu.memref_squeeze %dma_start3A_229 : memref<1x1x40xi32, #tpu.memory_space<vmem>> -> memref<40xi32, #tpu.memory_space<vmem>>
      %dma_start3A_231 = arith.constant 0 : i32
      %dma_start3A_232 = arith.constant 0 : i32
      %dma_start3A_233 = tpu.memref_slice %arg12[%dma_start3A_231, %dma_start3A_232] : memref<10240x128xf32, #tpu.memory_space<vmem_shared>> -> memref<10240x128xf32, #tpu.memory_space<vmem_shared>>
      tpu.enqueue_indirect_dma source(%dma_start3A_227 : memref<40x128xf32, #tpu.memory_space<vmem>>) target(%dma_start3A_233 : memref<10240x128xf32, #tpu.memory_space<vmem_shared>>) offsets(%dma_start3A_230 : memref<40xi32, #tpu.memory_space<vmem>>) semaphore(%arg15 : memref<!tpu.dma_semaphore, #tpu.memory_space<semaphore_mem>>) {add = true}
      %dma_wait3A_234 = arith.constant 1 : i32
      %dma_wait3A_235 = arith.constant 1 : i32
      %dma_wait3A_236 = arith.constant 0 : i32
      %dma_wait3A_237 = arith.constant 0 : i32
      %dma_wait3A_238 = tpu.memref_slice %arg10[%dma_wait3A_236, %dma_wait3A_237] : memref<80x128xf32, #tpu.memory_space<vmem>> -> memref<40x128xf32, #tpu.memory_space<vmem>>
      %dma_wait3A_239 = arith.constant 0 : i32
      %dma_wait3A_240 = tpu.memref_slice %arg7[%dma_wait3A_234, %dma_wait3A_235, %dma_wait3A_239] : memref<2x4x40xi32, #tpu.memory_space<vmem>> -> memref<1x1x40xi32, #tpu.memory_space<vmem>>
      %dma_wait3A_241 = tpu.memref_squeeze %dma_wait3A_240 : memref<1x1x40xi32, #tpu.memory_space<vmem>> -> memref<40xi32, #tpu.memory_space<vmem>>
      %dma_wait3A_242 = arith.constant 0 : i32
      %dma_wait3A_243 = arith.constant 0 : i32
      %dma_wait3A_244 = tpu.memref_slice %arg2[%dma_wait3A_242, %dma_wait3A_243] : memref<10000x128xf32, #tpu.memory_space<hbm>> -> memref<10000x128xf32, #tpu.memory_space<hbm>>
      tpu.wait_indirect_dma semaphore(%arg16 : memref<!tpu.dma_semaphore, #tpu.memory_space<semaphore_mem>>) src(%dma_wait3A_244 : memref<10000x128xf32, #tpu.memory_space<hbm>>) dst(%dma_wait3A_238 : memref<40x128xf32, #tpu.memory_space<vmem>>)
      %dma_wait3A_245 = arith.constant 1 : i32
      %dma_wait3A_246 = arith.constant 3 : i32
      %dma_wait3A_247 = arith.constant 40 : i32
      %dma_wait3A_248 = arith.constant 0 : i32
      %dma_wait3A_249 = tpu.memref_slice %arg10[%dma_wait3A_247, %dma_wait3A_248] : memref<80x128xf32, #tpu.memory_space<vmem>> -> memref<40x128xf32, #tpu.memory_space<vmem>>
      %dma_wait3A_250 = arith.constant 0 : i32
      %dma_wait3A_251 = tpu.memref_slice %arg7[%dma_wait3A_245, %dma_wait3A_246, %dma_wait3A_250] : memref<2x4x40xi32, #tpu.memory_space<vmem>> -> memref<1x1x40xi32, #tpu.memory_space<vmem>>
      %dma_wait3A_252 = tpu.memref_squeeze %dma_wait3A_251 : memref<1x1x40xi32, #tpu.memory_space<vmem>> -> memref<40xi32, #tpu.memory_space<vmem>>
      %dma_wait3A_253 = arith.constant 0 : i32
      %dma_wait3A_254 = arith.constant 0 : i32
      %dma_wait3A_255 = tpu.memref_slice %arg2[%dma_wait3A_253, %dma_wait3A_254] : memref<10000x128xf32, #tpu.memory_space<hbm>> -> memref<10000x128xf32, #tpu.memory_space<hbm>>
      tpu.wait_indirect_dma semaphore(%arg16 : memref<!tpu.dma_semaphore, #tpu.memory_space<semaphore_mem>>) src(%dma_wait3A_255 : memref<10000x128xf32, #tpu.memory_space<hbm>>) dst(%dma_wait3A_249 : memref<40x128xf32, #tpu.memory_space<vmem>>)
      %dma_wait3A_256 = arith.constant 0 : i32
      %dma_wait3A_257 = tpu.memref_slice %arg3[%multiple_of3A_127, %dma_wait3A_256] : memref<160000x128xi32, #tpu.memory_space<hbm>> -> memref<40x128xi32, #tpu.memory_space<hbm>>
      %dma_wait3A_258 = arith.constant 0 : i32
      %dma_wait3A_259 = tpu.memref_slice %arg3[%multiple_of3A_127, %dma_wait3A_258] : memref<160000x128xi32, #tpu.memory_space<hbm>> -> memref<40x128xi32, #tpu.memory_space<hbm>>
      tpu.wait_dma2 semaphore(%arg17 : memref<!tpu.dma_semaphore, #tpu.memory_space<semaphore_mem>>) src(%dma_wait3A_259 : memref<40x128xi32, #tpu.memory_space<hbm>>) dst(%arg11 : memref<40x128xi32, #tpu.memory_space<vmem>>)
      %scan3A_260 = arith.constant 0 : i32
      %scan3A_261 = arith.constant 0 : i32
      %scan3A_262 = arith.constant 40 : i32
      %scan3A_263 = arith.addi %scan3A_261, %scan3A_262 : i32
      %scan3A_264 = arith.constant 1 : i32
      scf.for %scan3A_332 = %scan3A_261 to %scan3A_263 step %scan3A_264  : i32 {
        %get3A = arith.index_cast %scan3A_332 : i32 to index
        %get3A_333 = arith.constant 0 : index
        %get3A_334 = tpu.vector_load %arg11[%get3A, %get3A_333] {strides = array<i32>} : memref<40x128xi32, #tpu.memory_space<vmem>>, vector<1x16xi32>,
        %get3A_335 = vector.shape_cast %get3A_334 : vector<1x16xi32> to vector<16xi32>
        %shift_left3A = arith.constant 16 : i32
        %shift_left3A_336 = vector.broadcast %shift_left3A : i32 to vector<16xi32>
        %shift_left3A_337 = arith.shli %get3A_335, %shift_left3A_336 : vector<16xi32>
        %bitcast_convert_type3A = tpu.bitcast %shift_left3A_337 : vector<16xi32> -> vector<16xf32>
        %and3A = arith.constant -65536 : i32
        %and3A_338 = vector.broadcast %and3A : i32 to vector<16xi32>
        %and3A_339 = arith.andi %get3A_335, %and3A_338 : vector<16xi32>
        %bitcast_convert_type3A_340 = tpu.bitcast %and3A_339 : vector<16xi32> -> vector<16xf32>
        %get3A_341 = arith.index_cast %scan3A_332 : i32 to index
        %get3A_342 = arith.constant 0 : index
        %get3A_343 = tpu.vector_load %arg10[%get3A_341, %get3A_342] {strides = array<i32>} : memref<80x128xf32, #tpu.memory_space<vmem>>, vector<1x16xf32>,
        %get3A_344 = vector.shape_cast %get3A_343 : vector<1x16xf32> to vector<16xf32>
        %mul3A_345 = arith.mulf %get3A_344, %bitcast_convert_type3A : vector<16xf32>
        %swap3A = arith.index_cast %scan3A_332 : i32 to index
        %swap3A_346 = arith.constant 0 : index
        %swap3A_347 = tpu.vector_load %arg10[%swap3A, %swap3A_346] {strides = array<i32>} : memref<80x128xf32, #tpu.memory_space<vmem>>, vector<1x16xf32>,
        %swap3A_348 = vector.shape_cast %swap3A_347 : vector<1x16xf32> to vector<16xf32>
        %swap3A_349 = vector.shape_cast %mul3A_345 : vector<16xf32> to vector<1x16xf32>
        tpu.vector_store %arg10[%swap3A, %swap3A_346], %swap3A_349 {strides = array<i32>} : memref<80x128xf32, #tpu.memory_space<vmem>>, vector<1x16xf32>,
        %add3A_350 = arith.constant 40 : i32
        %add3A_351 = arith.addi %add3A_350, %scan3A_332 : i32
        %get3A_352 = arith.index_cast %add3A_351 : i32 to index
        %get3A_353 = arith.constant 0 : index
        %get3A_354 = tpu.vector_load %arg10[%get3A_352, %get3A_353] {strides = array<i32>} : memref<80x128xf32, #tpu.memory_space<vmem>>, vector<1x16xf32>,
        %get3A_355 = vector.shape_cast %get3A_354 : vector<1x16xf32> to vector<16xf32>
        %mul3A_356 = arith.mulf %get3A_355, %bitcast_convert_type3A_340 : vector<16xf32>
        %add3A_357 = arith.constant 40 : i32
        %add3A_358 = arith.addi %add3A_357, %scan3A_332 : i32
        %swap3A_359 = arith.index_cast %add3A_358 : i32 to index
        %swap3A_360 = arith.constant 0 : index
        %swap3A_361 = tpu.vector_load %arg10[%swap3A_359, %swap3A_360] {strides = array<i32>} : memref<80x128xf32, #tpu.memory_space<vmem>>, vector<1x16xf32>,
        %swap3A_362 = vector.shape_cast %swap3A_361 : vector<1x16xf32> to vector<16xf32>
        %swap3A_363 = vector.shape_cast %mul3A_356 : vector<16xf32> to vector<1x16xf32>
        tpu.vector_store %arg10[%swap3A_359, %swap3A_360], %swap3A_363 {strides = array<i32>} : memref<80x128xf32, #tpu.memory_space<vmem>>, vector<1x16xf32>,
        %get3A_364 = arith.index_cast %scan3A_332 : i32 to index
        %get3A_365 = arith.constant 16 : index
        %get3A_366 = tpu.vector_load %arg11[%get3A_364, %get3A_365] {strides = array<i32>} : memref<40x128xi32, #tpu.memory_space<vmem>>, vector<1x16xi32>,
        %get3A_367 = vector.shape_cast %get3A_366 : vector<1x16xi32> to vector<16xi32>
        %shift_left3A_368 = arith.constant 16 : i32
        %shift_left3A_369 = vector.broadcast %shift_left3A_368 : i32 to vector<16xi32>
        %shift_left3A_370 = arith.shli %get3A_367, %shift_left3A_369 : vector<16xi32>
        %bitcast_convert_type3A_371 = tpu.bitcast %shift_left3A_370 : vector<16xi32> -> vector<16xf32>
        %and3A_372 = arith.constant -65536 : i32
        %and3A_373 = vector.broadcast %and3A_372 : i32 to vector<16xi32>
        %and3A_374 = arith.andi %get3A_367, %and3A_373 : vector<16xi32>
        %bitcast_convert_type3A_375 = tpu.bitcast %and3A_374 : vector<16xi32> -> vector<16xf32>
        %get3A_376 = arith.index_cast %scan3A_332 : i32 to index
        %get3A_377 = arith.constant 16 : index
        %get3A_378 = tpu.vector_load %arg10[%get3A_376, %get3A_377] {strides = array<i32>} : memref<80x128xf32, #tpu.memory_space<vmem>>, vector<1x16xf32>,
        %get3A_379 = vector.shape_cast %get3A_378 : vector<1x16xf32> to vector<16xf32>
        %mul3A_380 = arith.mulf %get3A_379, %bitcast_convert_type3A_371 : vector<16xf32>
        %swap3A_381 = arith.index_cast %scan3A_332 : i32 to index
        %swap3A_382 = arith.constant 16 : index
        %swap3A_383 = tpu.vector_load %arg10[%swap3A_381, %swap3A_382] {strides = array<i32>} : memref<80x128xf32, #tpu.memory_space<vmem>>, vector<1x16xf32>,
        %swap3A_384 = vector.shape_cast %swap3A_383 : vector<1x16xf32> to vector<16xf32>
        %swap3A_385 = vector.shape_cast %mul3A_380 : vector<16xf32> to vector<1x16xf32>
        tpu.vector_store %arg10[%swap3A_381, %swap3A_382], %swap3A_385 {strides = array<i32>} : memref<80x128xf32, #tpu.memory_space<vmem>>, vector<1x16xf32>,
        %add3A_386 = arith.constant 40 : i32
        %add3A_387 = arith.addi %add3A_386, %scan3A_332 : i32
        %get3A_388 = arith.index_cast %add3A_387 : i32 to index
        %get3A_389 = arith.constant 16 : index
        %get3A_390 = tpu.vector_load %arg10[%get3A_388, %get3A_389] {strides = array<i32>} : memref<80x128xf32, #tpu.memory_space<vmem>>, vector<1x16xf32>,
        %get3A_391 = vector.shape_cast %get3A_390 : vector<1x16xf32> to vector<16xf32>
        %mul3A_392 = arith.mulf %get3A_391, %bitcast_convert_type3A_375 : vector<16xf32>
        %add3A_393 = arith.constant 40 : i32
        %add3A_394 = arith.addi %add3A_393, %scan3A_332 : i32
        %swap3A_395 = arith.index_cast %add3A_394 : i32 to index
        %swap3A_396 = arith.constant 16 : index
        %swap3A_397 = tpu.vector_load %arg10[%swap3A_395, %swap3A_396] {strides = array<i32>} : memref<80x128xf32, #tpu.memory_space<vmem>>, vector<1x16xf32>,
        %swap3A_398 = vector.shape_cast %swap3A_397 : vector<1x16xf32> to vector<16xf32>
        %swap3A_399 = vector.shape_cast %mul3A_392 : vector<16xf32> to vector<1x16xf32>
        tpu.vector_store %arg10[%swap3A_395, %swap3A_396], %swap3A_399 {strides = array<i32>} : memref<80x128xf32, #tpu.memory_space<vmem>>, vector<1x16xf32>,
        %get3A_400 = arith.index_cast %scan3A_332 : i32 to index
        %get3A_401 = arith.constant 32 : index
        %get3A_402 = tpu.vector_load %arg11[%get3A_400, %get3A_401] {strides = array<i32>} : memref<40x128xi32, #tpu.memory_space<vmem>>, vector<1x16xi32>,
        %get3A_403 = vector.shape_cast %get3A_402 : vector<1x16xi32> to vector<16xi32>
        %shift_left3A_404 = arith.constant 16 : i32
        %shift_left3A_405 = vector.broadcast %shift_left3A_404 : i32 to vector<16xi32>
        %shift_left3A_406 = arith.shli %get3A_403, %shift_left3A_405 : vector<16xi32>
        %bitcast_convert_type3A_407 = tpu.bitcast %shift_left3A_406 : vector<16xi32> -> vector<16xf32>
        %and3A_408 = arith.constant -65536 : i32
        %and3A_409 = vector.broadcast %and3A_408 : i32 to vector<16xi32>
        %and3A_410 = arith.andi %get3A_403, %and3A_409 : vector<16xi32>
        %bitcast_convert_type3A_411 = tpu.bitcast %and3A_410 : vector<16xi32> -> vector<16xf32>
        %get3A_412 = arith.index_cast %scan3A_332 : i32 to index
        %get3A_413 = arith.constant 32 : index
        %get3A_414 = tpu.vector_load %arg10[%get3A_412, %get3A_413] {strides = array<i32>} : memref<80x128xf32, #tpu.memory_space<vmem>>, vector<1x16xf32>,
        %get3A_415 = vector.shape_cast %get3A_414 : vector<1x16xf32> to vector<16xf32>
        %mul3A_416 = arith.mulf %get3A_415, %bitcast_convert_type3A_407 : vector<16xf32>
        %swap3A_417 = arith.index_cast %scan3A_332 : i32 to index
        %swap3A_418 = arith.constant 32 : index
        %swap3A_419 = tpu.vector_load %arg10[%swap3A_417, %swap3A_418] {strides = array<i32>} : memref<80x128xf32, #tpu.memory_space<vmem>>, vector<1x16xf32>,
        %swap3A_420 = vector.shape_cast %swap3A_419 : vector<1x16xf32> to vector<16xf32>
        %swap3A_421 = vector.shape_cast %mul3A_416 : vector<16xf32> to vector<1x16xf32>
        tpu.vector_store %arg10[%swap3A_417, %swap3A_418], %swap3A_421 {strides = array<i32>} : memref<80x128xf32, #tpu.memory_space<vmem>>, vector<1x16xf32>,
        %add3A_422 = arith.constant 40 : i32
        %add3A_423 = arith.addi %add3A_422, %scan3A_332 : i32
        %get3A_424 = arith.index_cast %add3A_423 : i32 to index
        %get3A_425 = arith.constant 32 : index
        %get3A_426 = tpu.vector_load %arg10[%get3A_424, %get3A_425] {strides = array<i32>} : memref<80x128xf32, #tpu.memory_space<vmem>>, vector<1x16xf32>,
        %get3A_427 = vector.shape_cast %get3A_426 : vector<1x16xf32> to vector<16xf32>
        %mul3A_428 = arith.mulf %get3A_427, %bitcast_convert_type3A_411 : vector<16xf32>
        %add3A_429 = arith.constant 40 : i32
        %add3A_430 = arith.addi %add3A_429, %scan3A_332 : i32
        %swap3A_431 = arith.index_cast %add3A_430 : i32 to index
        %swap3A_432 = arith.constant 32 : index
        %swap3A_433 = tpu.vector_load %arg10[%swap3A_431, %swap3A_432] {strides = array<i32>} : memref<80x128xf32, #tpu.memory_space<vmem>>, vector<1x16xf32>,
        %swap3A_434 = vector.shape_cast %swap3A_433 : vector<1x16xf32> to vector<16xf32>
        %swap3A_435 = vector.shape_cast %mul3A_428 : vector<16xf32> to vector<1x16xf32>
        tpu.vector_store %arg10[%swap3A_431, %swap3A_432], %swap3A_435 {strides = array<i32>} : memref<80x128xf32, #tpu.memory_space<vmem>>, vector<1x16xf32>,
        %get3A_436 = arith.index_cast %scan3A_332 : i32 to index
        %get3A_437 = arith.constant 48 : index
        %get3A_438 = tpu.vector_load %arg11[%get3A_436, %get3A_437] {strides = array<i32>} : memref<40x128xi32, #tpu.memory_space<vmem>>, vector<1x16xi32>,
        %get3A_439 = vector.shape_cast %get3A_438 : vector<1x16xi32> to vector<16xi32>
        %shift_left3A_440 = arith.constant 16 : i32
        %shift_left3A_441 = vector.broadcast %shift_left3A_440 : i32 to vector<16xi32>
        %shift_left3A_442 = arith.shli %get3A_439, %shift_left3A_441 : vector<16xi32>
        %bitcast_convert_type3A_443 = tpu.bitcast %shift_left3A_442 : vector<16xi32> -> vector<16xf32>
        %and3A_444 = arith.constant -65536 : i32
        %and3A_445 = vector.broadcast %and3A_444 : i32 to vector<16xi32>
        %and3A_446 = arith.andi %get3A_439, %and3A_445 : vector<16xi32>
        %bitcast_convert_type3A_447 = tpu.bitcast %and3A_446 : vector<16xi32> -> vector<16xf32>
        %get3A_448 = arith.index_cast %scan3A_332 : i32 to index
        %get3A_449 = arith.constant 48 : index
        %get3A_450 = tpu.vector_load %arg10[%get3A_448, %get3A_449] {strides = array<i32>} : memref<80x128xf32, #tpu.memory_space<vmem>>, vector<1x16xf32>,
        %get3A_451 = vector.shape_cast %get3A_450 : vector<1x16xf32> to vector<16xf32>
        %mul3A_452 = arith.mulf %get3A_451, %bitcast_convert_type3A_443 : vector<16xf32>
        %swap3A_453 = arith.index_cast %scan3A_332 : i32 to index
        %swap3A_454 = arith.constant 48 : index
        %swap3A_455 = tpu.vector_load %arg10[%swap3A_453, %swap3A_454] {strides = array<i32>} : memref<80x128xf32, #tpu.memory_space<vmem>>, vector<1x16xf32>,
        %swap3A_456 = vector.shape_cast %swap3A_455 : vector<1x16xf32> to vector<16xf32>
        %swap3A_457 = vector.shape_cast %mul3A_452 : vector<16xf32> to vector<1x16xf32>
        tpu.vector_store %arg10[%swap3A_453, %swap3A_454], %swap3A_457 {strides = array<i32>} : memref<80x128xf32, #tpu.memory_space<vmem>>, vector<1x16xf32>,
        %add3A_458 = arith.constant 40 : i32
        %add3A_459 = arith.addi %add3A_458, %scan3A_332 : i32
        %get3A_460 = arith.index_cast %add3A_459 : i32 to index
        %get3A_461 = arith.constant 48 : index
        %get3A_462 = tpu.vector_load %arg10[%get3A_460, %get3A_461] {strides = array<i32>} : memref<80x128xf32, #tpu.memory_space<vmem>>, vector<1x16xf32>,
        %get3A_463 = vector.shape_cast %get3A_462 : vector<1x16xf32> to vector<16xf32>
        %mul3A_464 = arith.mulf %get3A_463, %bitcast_convert_type3A_447 : vector<16xf32>
        %add3A_465 = arith.constant 40 : i32
        %add3A_466 = arith.addi %add3A_465, %scan3A_332 : i32
        %swap3A_467 = arith.index_cast %add3A_466 : i32 to index
        %swap3A_468 = arith.constant 48 : index
        %swap3A_469 = tpu.vector_load %arg10[%swap3A_467, %swap3A_468] {strides = array<i32>} : memref<80x128xf32, #tpu.memory_space<vmem>>, vector<1x16xf32>,
        %swap3A_470 = vector.shape_cast %swap3A_469 : vector<1x16xf32> to vector<16xf32>
        %swap3A_471 = vector.shape_cast %mul3A_464 : vector<16xf32> to vector<1x16xf32>
        tpu.vector_store %arg10[%swap3A_467, %swap3A_468], %swap3A_471 {strides = array<i32>} : memref<80x128xf32, #tpu.memory_space<vmem>>, vector<1x16xf32>,
        %get3A_472 = arith.index_cast %scan3A_332 : i32 to index
        %get3A_473 = arith.constant 64 : index
        %get3A_474 = tpu.vector_load %arg11[%get3A_472, %get3A_473] {strides = array<i32>} : memref<40x128xi32, #tpu.memory_space<vmem>>, vector<1x16xi32>,
        %get3A_475 = vector.shape_cast %get3A_474 : vector<1x16xi32> to vector<16xi32>
        %shift_left3A_476 = arith.constant 16 : i32
        %shift_left3A_477 = vector.broadcast %shift_left3A_476 : i32 to vector<16xi32>
        %shift_left3A_478 = arith.shli %get3A_475, %shift_left3A_477 : vector<16xi32>
        %bitcast_convert_type3A_479 = tpu.bitcast %shift_left3A_478 : vector<16xi32> -> vector<16xf32>
        %and3A_480 = arith.constant -65536 : i32
        %and3A_481 = vector.broadcast %and3A_480 : i32 to vector<16xi32>
        %and3A_482 = arith.andi %get3A_475, %and3A_481 : vector<16xi32>
        %bitcast_convert_type3A_483 = tpu.bitcast %and3A_482 : vector<16xi32> -> vector<16xf32>
        %get3A_484 = arith.index_cast %scan3A_332 : i32 to index
        %get3A_485 = arith.constant 64 : index
        %get3A_486 = tpu.vector_load %arg10[%get3A_484, %get3A_485] {strides = array<i32>} : memref<80x128xf32, #tpu.memory_space<vmem>>, vector<1x16xf32>,
        %get3A_487 = vector.shape_cast %get3A_486 : vector<1x16xf32> to vector<16xf32>
        %mul3A_488 = arith.mulf %get3A_487, %bitcast_convert_type3A_479 : vector<16xf32>
        %swap3A_489 = arith.index_cast %scan3A_332 : i32 to index
        %swap3A_490 = arith.constant 64 : index
        %swap3A_491 = tpu.vector_load %arg10[%swap3A_489, %swap3A_490] {strides = array<i32>} : memref<80x128xf32, #tpu.memory_space<vmem>>, vector<1x16xf32>,
        %swap3A_492 = vector.shape_cast %swap3A_491 : vector<1x16xf32> to vector<16xf32>
        %swap3A_493 = vector.shape_cast %mul3A_488 : vector<16xf32> to vector<1x16xf32>
        tpu.vector_store %arg10[%swap3A_489, %swap3A_490], %swap3A_493 {strides = array<i32>} : memref<80x128xf32, #tpu.memory_space<vmem>>, vector<1x16xf32>,
        %add3A_494 = arith.constant 40 : i32
        %add3A_495 = arith.addi %add3A_494, %scan3A_332 : i32
        %get3A_496 = arith.index_cast %add3A_495 : i32 to index
        %get3A_497 = arith.constant 64 : index
        %get3A_498 = tpu.vector_load %arg10[%get3A_496, %get3A_497] {strides = array<i32>} : memref<80x128xf32, #tpu.memory_space<vmem>>, vector<1x16xf32>,
        %get3A_499 = vector.shape_cast %get3A_498 : vector<1x16xf32> to vector<16xf32>
        %mul3A_500 = arith.mulf %get3A_499, %bitcast_convert_type3A_483 : vector<16xf32>
        %add3A_501 = arith.constant 40 : i32
        %add3A_502 = arith.addi %add3A_501, %scan3A_332 : i32
        %swap3A_503 = arith.index_cast %add3A_502 : i32 to index
        %swap3A_504 = arith.constant 64 : index
        %swap3A_505 = tpu.vector_load %arg10[%swap3A_503, %swap3A_504] {strides = array<i32>} : memref<80x128xf32, #tpu.memory_space<vmem>>, vector<1x16xf32>,
        %swap3A_506 = vector.shape_cast %swap3A_505 : vector<1x16xf32> to vector<16xf32>
        %swap3A_507 = vector.shape_cast %mul3A_500 : vector<16xf32> to vector<1x16xf32>
        tpu.vector_store %arg10[%swap3A_503, %swap3A_504], %swap3A_507 {strides = array<i32>} : memref<80x128xf32, #tpu.memory_space<vmem>>, vector<1x16xf32>,
        %get3A_508 = arith.index_cast %scan3A_332 : i32 to index
        %get3A_509 = arith.constant 80 : index
        %get3A_510 = tpu.vector_load %arg11[%get3A_508, %get3A_509] {strides = array<i32>} : memref<40x128xi32, #tpu.memory_space<vmem>>, vector<1x16xi32>,
        %get3A_511 = vector.shape_cast %get3A_510 : vector<1x16xi32> to vector<16xi32>
        %shift_left3A_512 = arith.constant 16 : i32
        %shift_left3A_513 = vector.broadcast %shift_left3A_512 : i32 to vector<16xi32>
        %shift_left3A_514 = arith.shli %get3A_511, %shift_left3A_513 : vector<16xi32>
        %bitcast_convert_type3A_515 = tpu.bitcast %shift_left3A_514 : vector<16xi32> -> vector<16xf32>
        %and3A_516 = arith.constant -65536 : i32
        %and3A_517 = vector.broadcast %and3A_516 : i32 to vector<16xi32>
        %and3A_518 = arith.andi %get3A_511, %and3A_517 : vector<16xi32>
        %bitcast_convert_type3A_519 = tpu.bitcast %and3A_518 : vector<16xi32> -> vector<16xf32>
        %get3A_520 = arith.index_cast %scan3A_332 : i32 to index
        %get3A_521 = arith.constant 80 : index
        %get3A_522 = tpu.vector_load %arg10[%get3A_520, %get3A_521] {strides = array<i32>} : memref<80x128xf32, #tpu.memory_space<vmem>>, vector<1x16xf32>,
        %get3A_523 = vector.shape_cast %get3A_522 : vector<1x16xf32> to vector<16xf32>
        %mul3A_524 = arith.mulf %get3A_523, %bitcast_convert_type3A_515 : vector<16xf32>
        %swap3A_525 = arith.index_cast %scan3A_332 : i32 to index
        %swap3A_526 = arith.constant 80 : index
        %swap3A_527 = tpu.vector_load %arg10[%swap3A_525, %swap3A_526] {strides = array<i32>} : memref<80x128xf32, #tpu.memory_space<vmem>>, vector<1x16xf32>,
        %swap3A_528 = vector.shape_cast %swap3A_527 : vector<1x16xf32> to vector<16xf32>
        %swap3A_529 = vector.shape_cast %mul3A_524 : vector<16xf32> to vector<1x16xf32>
        tpu.vector_store %arg10[%swap3A_525, %swap3A_526], %swap3A_529 {strides = array<i32>} : memref<80x128xf32, #tpu.memory_space<vmem>>, vector<1x16xf32>,
        %add3A_530 = arith.constant 40 : i32
        %add3A_531 = arith.addi %add3A_530, %scan3A_332 : i32
        %get3A_532 = arith.index_cast %add3A_531 : i32 to index
        %get3A_533 = arith.constant 80 : index
        %get3A_534 = tpu.vector_load %arg10[%get3A_532, %get3A_533] {strides = array<i32>} : memref<80x128xf32, #tpu.memory_space<vmem>>, vector<1x16xf32>,
        %get3A_535 = vector.shape_cast %get3A_534 : vector<1x16xf32> to vector<16xf32>
        %mul3A_536 = arith.mulf %get3A_535, %bitcast_convert_type3A_519 : vector<16xf32>
        %add3A_537 = arith.constant 40 : i32
        %add3A_538 = arith.addi %add3A_537, %scan3A_332 : i32
        %swap3A_539 = arith.index_cast %add3A_538 : i32 to index
        %swap3A_540 = arith.constant 80 : index
        %swap3A_541 = tpu.vector_load %arg10[%swap3A_539, %swap3A_540] {strides = array<i32>} : memref<80x128xf32, #tpu.memory_space<vmem>>, vector<1x16xf32>,
        %swap3A_542 = vector.shape_cast %swap3A_541 : vector<1x16xf32> to vector<16xf32>
        %swap3A_543 = vector.shape_cast %mul3A_536 : vector<16xf32> to vector<1x16xf32>
        tpu.vector_store %arg10[%swap3A_539, %swap3A_540], %swap3A_543 {strides = array<i32>} : memref<80x128xf32, #tpu.memory_space<vmem>>, vector<1x16xf32>,
        %get3A_544 = arith.index_cast %scan3A_332 : i32 to index
        %get3A_545 = arith.constant 96 : index
        %get3A_546 = tpu.vector_load %arg11[%get3A_544, %get3A_545] {strides = array<i32>} : memref<40x128xi32, #tpu.memory_space<vmem>>, vector<1x16xi32>,
        %get3A_547 = vector.shape_cast %get3A_546 : vector<1x16xi32> to vector<16xi32>
        %shift_left3A_548 = arith.constant 16 : i32
        %shift_left3A_549 = vector.broadcast %shift_left3A_548 : i32 to vector<16xi32>
        %shift_left3A_550 = arith.shli %get3A_547, %shift_left3A_549 : vector<16xi32>
        %bitcast_convert_type3A_551 = tpu.bitcast %shift_left3A_550 : vector<16xi32> -> vector<16xf32>
        %and3A_552 = arith.constant -65536 : i32
        %and3A_553 = vector.broadcast %and3A_552 : i32 to vector<16xi32>
        %and3A_554 = arith.andi %get3A_547, %and3A_553 : vector<16xi32>
        %bitcast_convert_type3A_555 = tpu.bitcast %and3A_554 : vector<16xi32> -> vector<16xf32>
        %get3A_556 = arith.index_cast %scan3A_332 : i32 to index
        %get3A_557 = arith.constant 96 : index
        %get3A_558 = tpu.vector_load %arg10[%get3A_556, %get3A_557] {strides = array<i32>} : memref<80x128xf32, #tpu.memory_space<vmem>>, vector<1x16xf32>,
        %get3A_559 = vector.shape_cast %get3A_558 : vector<1x16xf32> to vector<16xf32>
        %mul3A_560 = arith.mulf %get3A_559, %bitcast_convert_type3A_551 : vector<16xf32>
        %swap3A_561 = arith.index_cast %scan3A_332 : i32 to index
        %swap3A_562 = arith.constant 96 : index
        %swap3A_563 = tpu.vector_load %arg10[%swap3A_561, %swap3A_562] {strides = array<i32>} : memref<80x128xf32, #tpu.memory_space<vmem>>, vector<1x16xf32>,
        %swap3A_564 = vector.shape_cast %swap3A_563 : vector<1x16xf32> to vector<16xf32>
        %swap3A_565 = vector.shape_cast %mul3A_560 : vector<16xf32> to vector<1x16xf32>
        tpu.vector_store %arg10[%swap3A_561, %swap3A_562], %swap3A_565 {strides = array<i32>} : memref<80x128xf32, #tpu.memory_space<vmem>>, vector<1x16xf32>,
        %add3A_566 = arith.constant 40 : i32
        %add3A_567 = arith.addi %add3A_566, %scan3A_332 : i32
        %get3A_568 = arith.index_cast %add3A_567 : i32 to index
        %get3A_569 = arith.constant 96 : index
        %get3A_570 = tpu.vector_load %arg10[%get3A_568, %get3A_569] {strides = array<i32>} : memref<80x128xf32, #tpu.memory_space<vmem>>, vector<1x16xf32>,
        %get3A_571 = vector.shape_cast %get3A_570 : vector<1x16xf32> to vector<16xf32>
        %mul3A_572 = arith.mulf %get3A_571, %bitcast_convert_type3A_555 : vector<16xf32>
        %add3A_573 = arith.constant 40 : i32
        %add3A_574 = arith.addi %add3A_573, %scan3A_332 : i32
        %swap3A_575 = arith.index_cast %add3A_574 : i32 to index
        %swap3A_576 = arith.constant 96 : index
        %swap3A_577 = tpu.vector_load %arg10[%swap3A_575, %swap3A_576] {strides = array<i32>} : memref<80x128xf32, #tpu.memory_space<vmem>>, vector<1x16xf32>,
        %swap3A_578 = vector.shape_cast %swap3A_577 : vector<1x16xf32> to vector<16xf32>
        %swap3A_579 = vector.shape_cast %mul3A_572 : vector<16xf32> to vector<1x16xf32>
        tpu.vector_store %arg10[%swap3A_575, %swap3A_576], %swap3A_579 {strides = array<i32>} : memref<80x128xf32, #tpu.memory_space<vmem>>, vector<1x16xf32>,
        %get3A_580 = arith.index_cast %scan3A_332 : i32 to index
        %get3A_581 = arith.constant 112 : index
        %get3A_582 = tpu.vector_load %arg11[%get3A_580, %get3A_581] {strides = array<i32>} : memref<40x128xi32, #tpu.memory_space<vmem>>, vector<1x16xi32>,
        %get3A_583 = vector.shape_cast %get3A_582 : vector<1x16xi32> to vector<16xi32>
        %shift_left3A_584 = arith.constant 16 : i32
        %shift_left3A_585 = vector.broadcast %shift_left3A_584 : i32 to vector<16xi32>
        %shift_left3A_586 = arith.shli %get3A_583, %shift_left3A_585 : vector<16xi32>
        %bitcast_convert_type3A_587 = tpu.bitcast %shift_left3A_586 : vector<16xi32> -> vector<16xf32>
        %and3A_588 = arith.constant -65536 : i32
        %and3A_589 = vector.broadcast %and3A_588 : i32 to vector<16xi32>
        %and3A_590 = arith.andi %get3A_583, %and3A_589 : vector<16xi32>
        %bitcast_convert_type3A_591 = tpu.bitcast %and3A_590 : vector<16xi32> -> vector<16xf32>
        %get3A_592 = arith.index_cast %scan3A_332 : i32 to index
        %get3A_593 = arith.constant 112 : index
        %get3A_594 = tpu.vector_load %arg10[%get3A_592, %get3A_593] {strides = array<i32>} : memref<80x128xf32, #tpu.memory_space<vmem>>, vector<1x16xf32>,
        %get3A_595 = vector.shape_cast %get3A_594 : vector<1x16xf32> to vector<16xf32>
        %mul3A_596 = arith.mulf %get3A_595, %bitcast_convert_type3A_587 : vector<16xf32>
        %swap3A_597 = arith.index_cast %scan3A_332 : i32 to index
        %swap3A_598 = arith.constant 112 : index
        %swap3A_599 = tpu.vector_load %arg10[%swap3A_597, %swap3A_598] {strides = array<i32>} : memref<80x128xf32, #tpu.memory_space<vmem>>, vector<1x16xf32>,
        %swap3A_600 = vector.shape_cast %swap3A_599 : vector<1x16xf32> to vector<16xf32>
        %swap3A_601 = vector.shape_cast %mul3A_596 : vector<16xf32> to vector<1x16xf32>
        tpu.vector_store %arg10[%swap3A_597, %swap3A_598], %swap3A_601 {strides = array<i32>} : memref<80x128xf32, #tpu.memory_space<vmem>>, vector<1x16xf32>,
        %add3A_602 = arith.constant 40 : i32
        %add3A_603 = arith.addi %add3A_602, %scan3A_332 : i32
        %get3A_604 = arith.index_cast %add3A_603 : i32 to index
        %get3A_605 = arith.constant 112 : index
        %get3A_606 = tpu.vector_load %arg10[%get3A_604, %get3A_605] {strides = array<i32>} : memref<80x128xf32, #tpu.memory_space<vmem>>, vector<1x16xf32>,
        %get3A_607 = vector.shape_cast %get3A_606 : vector<1x16xf32> to vector<16xf32>
        %mul3A_608 = arith.mulf %get3A_607, %bitcast_convert_type3A_591 : vector<16xf32>
        %add3A_609 = arith.constant 40 : i32
        %add3A_610 = arith.addi %add3A_609, %scan3A_332 : i32
        %swap3A_611 = arith.index_cast %add3A_610 : i32 to index
        %swap3A_612 = arith.constant 112 : index
        %swap3A_613 = tpu.vector_load %arg10[%swap3A_611, %swap3A_612] {strides = array<i32>} : memref<80x128xf32, #tpu.memory_space<vmem>>, vector<1x16xf32>,
        %swap3A_614 = vector.shape_cast %swap3A_613 : vector<1x16xf32> to vector<16xf32>
        %swap3A_615 = vector.shape_cast %mul3A_608 : vector<16xf32> to vector<1x16xf32>
        tpu.vector_store %arg10[%swap3A_611, %swap3A_612], %swap3A_615 {strides = array<i32>} : memref<80x128xf32, #tpu.memory_space<vmem>>, vector<1x16xf32>,
      }
      %scan3A_265 = arith.constant 40 : i32
      %dma_start3A_266 = arith.constant 1 : i32
      %dma_start3A_267 = arith.constant 0 : i32
      %dma_start3A_268 = arith.constant 0 : i32
      %dma_start3A_269 = arith.constant 0 : i32
      %dma_start3A_270 = tpu.memref_slice %arg10[%dma_start3A_268, %dma_start3A_269] : memref<80x128xf32, #tpu.memory_space<vmem>> -> memref<40x128xf32, #tpu.memory_space<vmem>>
      %dma_start3A_271 = arith.constant 0 : i32
      %dma_start3A_272 = tpu.memref_slice %arg7[%dma_start3A_266, %dma_start3A_267, %dma_start3A_271] : memref<2x4x40xi32, #tpu.memory_space<vmem>> -> memref<1x1x40xi32, #tpu.memory_space<vmem>>
      %dma_start3A_273 = tpu.memref_squeeze %dma_start3A_272 : memref<1x1x40xi32, #tpu.memory_space<vmem>> -> memref<40xi32, #tpu.memory_space<vmem>>
      %dma_start3A_274 = arith.constant 0 : i32
      %dma_start3A_275 = arith.constant 0 : i32
      %dma_start3A_276 = tpu.memref_slice %arg12[%dma_start3A_274, %dma_start3A_275] : memref<10240x128xf32, #tpu.memory_space<vmem_shared>> -> memref<10240x128xf32, #tpu.memory_space<vmem_shared>>
      tpu.enqueue_indirect_dma source(%dma_start3A_270 : memref<40x128xf32, #tpu.memory_space<vmem>>) target(%dma_start3A_276 : memref<10240x128xf32, #tpu.memory_space<vmem_shared>>) offsets(%dma_start3A_273 : memref<40xi32, #tpu.memory_space<vmem>>) semaphore(%arg18 : memref<!tpu.dma_semaphore, #tpu.memory_space<semaphore_mem>>) {add = true}
      %dma_start3A_277 = arith.constant 1 : i32
      %dma_start3A_278 = arith.constant 2 : i32
      %dma_start3A_279 = arith.constant 40 : i32
      %dma_start3A_280 = arith.constant 0 : i32
      %dma_start3A_281 = tpu.memref_slice %arg10[%dma_start3A_279, %dma_start3A_280] : memref<80x128xf32, #tpu.memory_space<vmem>> -> memref<40x128xf32, #tpu.memory_space<vmem>>
      %dma_start3A_282 = arith.constant 0 : i32
      %dma_start3A_283 = tpu.memref_slice %arg7[%dma_start3A_277, %dma_start3A_278, %dma_start3A_282] : memref<2x4x40xi32, #tpu.memory_space<vmem>> -> memref<1x1x40xi32, #tpu.memory_space<vmem>>
      %dma_start3A_284 = tpu.memref_squeeze %dma_start3A_283 : memref<1x1x40xi32, #tpu.memory_space<vmem>> -> memref<40xi32, #tpu.memory_space<vmem>>
      %dma_start3A_285 = arith.constant 0 : i32
      %dma_start3A_286 = arith.constant 0 : i32
      %dma_start3A_287 = tpu.memref_slice %arg12[%dma_start3A_285, %dma_start3A_286] : memref<10240x128xf32, #tpu.memory_space<vmem_shared>> -> memref<10240x128xf32, #tpu.memory_space<vmem_shared>>
      tpu.enqueue_indirect_dma source(%dma_start3A_281 : memref<40x128xf32, #tpu.memory_space<vmem>>) target(%dma_start3A_287 : memref<10240x128xf32, #tpu.memory_space<vmem_shared>>) offsets(%dma_start3A_284 : memref<40xi32, #tpu.memory_space<vmem>>) semaphore(%arg18 : memref<!tpu.dma_semaphore, #tpu.memory_space<semaphore_mem>>) {add = true}
      %dma_wait3A_288 = arith.constant 0 : i32
      %dma_wait3A_289 = arith.constant 0 : i32
      %dma_wait3A_290 = arith.constant 0 : i32
      %dma_wait3A_291 = arith.constant 0 : i32
      %dma_wait3A_292 = tpu.memref_slice %arg8[%dma_wait3A_290, %dma_wait3A_291] : memref<80x128xf32, #tpu.memory_space<vmem>> -> memref<40x128xf32, #tpu.memory_space<vmem>>
      %dma_wait3A_293 = arith.constant 0 : i32
      %dma_wait3A_294 = tpu.memref_slice %arg7[%dma_wait3A_288, %dma_wait3A_289, %dma_wait3A_293] : memref<2x4x40xi32, #tpu.memory_space<vmem>> -> memref<1x1x40xi32, #tpu.memory_space<vmem>>
      %dma_wait3A_295 = tpu.memref_squeeze %dma_wait3A_294 : memref<1x1x40xi32, #tpu.memory_space<vmem>> -> memref<40xi32, #tpu.memory_space<vmem>>
      %dma_wait3A_296 = arith.constant 0 : i32
      %dma_wait3A_297 = arith.constant 0 : i32
      %dma_wait3A_298 = tpu.memref_slice %arg12[%dma_wait3A_296, %dma_wait3A_297] : memref<10240x128xf32, #tpu.memory_space<vmem_shared>> -> memref<10240x128xf32, #tpu.memory_space<vmem_shared>>
      tpu.wait_indirect_dma semaphore(%arg15 : memref<!tpu.dma_semaphore, #tpu.memory_space<semaphore_mem>>) src(%dma_wait3A_292 : memref<40x128xf32, #tpu.memory_space<vmem>>) dst(%dma_wait3A_298 : memref<10240x128xf32, #tpu.memory_space<vmem_shared>>)
      %dma_wait3A_299 = arith.constant 0 : i32
      %dma_wait3A_300 = arith.constant 2 : i32
      %dma_wait3A_301 = arith.constant 40 : i32
      %dma_wait3A_302 = arith.constant 0 : i32
      %dma_wait3A_303 = tpu.memref_slice %arg8[%dma_wait3A_301, %dma_wait3A_302] : memref<80x128xf32, #tpu.memory_space<vmem>> -> memref<40x128xf32, #tpu.memory_space<vmem>>
      %dma_wait3A_304 = arith.constant 0 : i32
      %dma_wait3A_305 = tpu.memref_slice %arg7[%dma_wait3A_299, %dma_wait3A_300, %dma_wait3A_304] : memref<2x4x40xi32, #tpu.memory_space<vmem>> -> memref<1x1x40xi32, #tpu.memory_space<vmem>>
      %dma_wait3A_306 = tpu.memref_squeeze %dma_wait3A_305 : memref<1x1x40xi32, #tpu.memory_space<vmem>> -> memref<40xi32, #tpu.memory_space<vmem>>
      %dma_wait3A_307 = arith.constant 0 : i32
      %dma_wait3A_308 = arith.constant 0 : i32
      %dma_wait3A_309 = tpu.memref_slice %arg12[%dma_wait3A_307, %dma_wait3A_308] : memref<10240x128xf32, #tpu.memory_space<vmem_shared>> -> memref<10240x128xf32, #tpu.memory_space<vmem_shared>>
      tpu.wait_indirect_dma semaphore(%arg15 : memref<!tpu.dma_semaphore, #tpu.memory_space<semaphore_mem>>) src(%dma_wait3A_303 : memref<40x128xf32, #tpu.memory_space<vmem>>) dst(%dma_wait3A_309 : memref<10240x128xf32, #tpu.memory_space<vmem_shared>>)
      %dma_wait3A_310 = arith.constant 1 : i32
      %dma_wait3A_311 = arith.constant 0 : i32
      %dma_wait3A_312 = arith.constant 0 : i32
      %dma_wait3A_313 = arith.constant 0 : i32
      %dma_wait3A_314 = tpu.memref_slice %arg10[%dma_wait3A_312, %dma_wait3A_313] : memref<80x128xf32, #tpu.memory_space<vmem>> -> memref<40x128xf32, #tpu.memory_space<vmem>>
      %dma_wait3A_315 = arith.constant 0 : i32
      %dma_wait3A_316 = tpu.memref_slice %arg7[%dma_wait3A_310, %dma_wait3A_311, %dma_wait3A_315] : memref<2x4x40xi32, #tpu.memory_space<vmem>> -> memref<1x1x40xi32, #tpu.memory_space<vmem>>
      %dma_wait3A_317 = tpu.memref_squeeze %dma_wait3A_316 : memref<1x1x40xi32, #tpu.memory_space<vmem>> -> memref<40xi32, #tpu.memory_space<vmem>>
      %dma_wait3A_318 = arith.constant 0 : i32
      %dma_wait3A_319 = arith.constant 0 : i32
      %dma_wait3A_320 = tpu.memref_slice %arg12[%dma_wait3A_318, %dma_wait3A_319] : memref<10240x128xf32, #tpu.memory_space<vmem_shared>> -> memref<10240x128xf32, #tpu.memory_space<vmem_shared>>
      tpu.wait_indirect_dma semaphore(%arg18 : memref<!tpu.dma_semaphore, #tpu.memory_space<semaphore_mem>>) src(%dma_wait3A_314 : memref<40x128xf32, #tpu.memory_space<vmem>>) dst(%dma_wait3A_320 : memref<10240x128xf32, #tpu.memory_space<vmem_shared>>)
      %dma_wait3A_321 = arith.constant 1 : i32
      %dma_wait3A_322 = arith.constant 2 : i32
      %dma_wait3A_323 = arith.constant 40 : i32
      %dma_wait3A_324 = arith.constant 0 : i32
      %dma_wait3A_325 = tpu.memref_slice %arg10[%dma_wait3A_323, %dma_wait3A_324] : memref<80x128xf32, #tpu.memory_space<vmem>> -> memref<40x128xf32, #tpu.memory_space<vmem>>
      %dma_wait3A_326 = arith.constant 0 : i32
      %dma_wait3A_327 = tpu.memref_slice %arg7[%dma_wait3A_321, %dma_wait3A_322, %dma_wait3A_326] : memref<2x4x40xi32, #tpu.memory_space<vmem>> -> memref<1x1x40xi32, #tpu.memory_space<vmem>>
      %dma_wait3A_328 = tpu.memref_squeeze %dma_wait3A_327 : memref<1x1x40xi32, #tpu.memory_space<vmem>> -> memref<40xi32, #tpu.memory_space<vmem>>
      %dma_wait3A_329 = arith.constant 0 : i32
      %dma_wait3A_330 = arith.constant 0 : i32
      %dma_wait3A_331 = tpu.memref_slice %arg12[%dma_wait3A_329, %dma_wait3A_330] : memref<10240x128xf32, #tpu.memory_space<vmem_shared>> -> memref<10240x128xf32, #tpu.memory_space<vmem_shared>>
      tpu.wait_indirect_dma semaphore(%arg18 : memref<!tpu.dma_semaphore, #tpu.memory_space<semaphore_mem>>) src(%dma_wait3A_325 : memref<40x128xf32, #tpu.memory_space<vmem>>) dst(%dma_wait3A_331 : memref<10240x128xf32, #tpu.memory_space<vmem_shared>>)
    }
    %scan3A_9 = arith.constant 62 : i32
    %add3A_10 = arith.constant 4960 : i32
    %add3A_11 = arith.addi %mul3A_2, %add3A_10 : i32
    %multiple_of3A = tpu.assume_multiple %add3A_11, 8 : i32
    "tpu.region"() ({
      %run_scoped3A = tpu.sem_alloc : memref<!tpu.dma_semaphore, #tpu.memory_space<semaphore_mem>>
      %dma_start3A_113 = arith.constant 123 : i32
      %dma_start3A_114 = arith.constant 0 : i32
      %dma_start3A_115 = arith.constant 0 : i32
      %dma_start3A_116 = tpu.memref_slice %arg4[%add3A, %dma_start3A_113, %dma_start3A_114, %dma_start3A_115] : memref<32x125x4x40xi32, #tpu.memory_space<hbm>> -> memref<1x2x4x40xi32, #tpu.memory_space<hbm>>
      %dma_start3A_117 = tpu.memref_squeeze %dma_start3A_116 : memref<1x2x4x40xi32, #tpu.memory_space<hbm>> -> memref<2x4x40xi32, #tpu.memory_space<hbm>>
      %dma_start3A_118 = arith.constant 123 : i32
      %dma_start3A_119 = arith.constant 0 : i32
      %dma_start3A_120 = arith.constant 0 : i32
      %dma_start3A_121 = tpu.memref_slice %arg4[%add3A, %dma_start3A_118, %dma_start3A_119, %dma_start3A_120] : memref<32x125x4x40xi32, #tpu.memory_space<hbm>> -> memref<1x2x4x40xi32, #tpu.memory_space<hbm>>
      %dma_start3A_122 = tpu.memref_squeeze %dma_start3A_121 : memref<1x2x4x40xi32, #tpu.memory_space<hbm>> -> memref<2x4x40xi32, #tpu.memory_space<hbm>>
      tpu.enqueue_dma source(%dma_start3A_122 : memref<2x4x40xi32, #tpu.memory_space<hbm>>) target(%arg7 : memref<2x4x40xi32, #tpu.memory_space<vmem>>) target_semaphore(%run_scoped3A : memref<!tpu.dma_semaphore, #tpu.memory_space<semaphore_mem>>)
      %dma_wait3A_123 = arith.constant 123 : i32
      %dma_wait3A_124 = arith.constant 0 : i32
      %dma_wait3A_125 = arith.constant 0 : i32
      %dma_wait3A_126 = tpu.memref_slice %arg4[%add3A, %dma_wait3A_123, %dma_wait3A_124, %dma_wait3A_125] : memref<32x125x4x40xi32, #tpu.memory_space<hbm>> -> memref<1x2x4x40xi32, #tpu.memory_space<hbm>>
      %dma_wait3A_127 = tpu.memref_squeeze %dma_wait3A_126 : memref<1x2x4x40xi32, #tpu.memory_space<hbm>> -> memref<2x4x40xi32, #tpu.memory_space<hbm>>
      %dma_wait3A_128 = arith.constant 123 : i32
      %dma_wait3A_129 = arith.constant 0 : i32
      %dma_wait3A_130 = arith.constant 0 : i32
      %dma_wait3A_131 = tpu.memref_slice %arg4[%add3A, %dma_wait3A_128, %dma_wait3A_129, %dma_wait3A_130] : memref<32x125x4x40xi32, #tpu.memory_space<hbm>> -> memref<1x2x4x40xi32, #tpu.memory_space<hbm>>
      %dma_wait3A_132 = tpu.memref_squeeze %dma_wait3A_131 : memref<1x2x4x40xi32, #tpu.memory_space<hbm>> -> memref<2x4x40xi32, #tpu.memory_space<hbm>>
      tpu.wait_dma2 semaphore(%run_scoped3A : memref<!tpu.dma_semaphore, #tpu.memory_space<semaphore_mem>>) src(%dma_wait3A_132 : memref<2x4x40xi32, #tpu.memory_space<hbm>>) dst(%arg7 : memref<2x4x40xi32, #tpu.memory_space<vmem>>)
      tpu.yield
    }) : () -> ()
    %dma_start3A = arith.constant 1 : i32
    %dma_start3A_12 = arith.constant 1 : i32
    %dma_start3A_13 = arith.constant 0 : i32
    %dma_start3A_14 = arith.constant 0 : i32
    %dma_start3A_15 = tpu.memref_slice %arg8[%dma_start3A_13, %dma_start3A_14] : memref<80x128xf32, #tpu.memory_space<vmem>> -> memref<40x128xf32, #tpu.memory_space<vmem>>
    %dma_start3A_16 = arith.constant 0 : i32
    %dma_start3A_17 = tpu.memref_slice %arg7[%dma_start3A, %dma_start3A_12, %dma_start3A_16] : memref<2x4x40xi32, #tpu.memory_space<vmem>> -> memref<1x1x40xi32, #tpu.memory_space<vmem>>
    %dma_start3A_18 = tpu.memref_squeeze %dma_start3A_17 : memref<1x1x40xi32, #tpu.memory_space<vmem>> -> memref<40xi32, #tpu.memory_space<vmem>>
    %dma_start3A_19 = arith.constant 0 : i32
    %dma_start3A_20 = arith.constant 0 : i32
    %dma_start3A_21 = tpu.memref_slice %arg2[%dma_start3A_19, %dma_start3A_20] : memref<10000x128xf32, #tpu.memory_space<hbm>> -> memref<10000x128xf32, #tpu.memory_space<hbm>>
    tpu.enqueue_indirect_dma source(%dma_start3A_21 : memref<10000x128xf32, #tpu.memory_space<hbm>>) target(%dma_start3A_15 : memref<40x128xf32, #tpu.memory_space<vmem>>) offsets(%dma_start3A_18 : memref<40xi32, #tpu.memory_space<vmem>>) semaphore(%arg13 : memref<!tpu.dma_semaphore, #tpu.memory_space<semaphore_mem>>)
    %dma_start3A_22 = arith.constant 1 : i32
    %dma_start3A_23 = arith.constant 3 : i32
    %dma_start3A_24 = arith.constant 40 : i32
    %dma_start3A_25 = arith.constant 0 : i32
    %dma_start3A_26 = tpu.memref_slice %arg8[%dma_start3A_24, %dma_start3A_25] : memref<80x128xf32, #tpu.memory_space<vmem>> -> memref<40x128xf32, #tpu.memory_space<vmem>>
    %dma_start3A_27 = arith.constant 0 : i32
    %dma_start3A_28 = tpu.memref_slice %arg7[%dma_start3A_22, %dma_start3A_23, %dma_start3A_27] : memref<2x4x40xi32, #tpu.memory_space<vmem>> -> memref<1x1x40xi32, #tpu.memory_space<vmem>>
    %dma_start3A_29 = tpu.memref_squeeze %dma_start3A_28 : memref<1x1x40xi32, #tpu.memory_space<vmem>> -> memref<40xi32, #tpu.memory_space<vmem>>
    %dma_start3A_30 = arith.constant 0 : i32
    %dma_start3A_31 = arith.constant 0 : i32
    %dma_start3A_32 = tpu.memref_slice %arg2[%dma_start3A_30, %dma_start3A_31] : memref<10000x128xf32, #tpu.memory_space<hbm>> -> memref<10000x128xf32, #tpu.memory_space<hbm>>
    tpu.enqueue_indirect_dma source(%dma_start3A_32 : memref<10000x128xf32, #tpu.memory_space<hbm>>) target(%dma_start3A_26 : memref<40x128xf32, #tpu.memory_space<vmem>>) offsets(%dma_start3A_29 : memref<40xi32, #tpu.memory_space<vmem>>) semaphore(%arg13 : memref<!tpu.dma_semaphore, #tpu.memory_space<semaphore_mem>>)
    %dma_start3A_33 = arith.constant 0 : i32
    %dma_start3A_34 = tpu.memref_slice %arg3[%multiple_of3A, %dma_start3A_33] : memref<160000x128xi32, #tpu.memory_space<hbm>> -> memref<40x128xi32, #tpu.memory_space<hbm>>
    %dma_start3A_35 = arith.constant 0 : i32
    %dma_start3A_36 = tpu.memref_slice %arg3[%multiple_of3A, %dma_start3A_35] : memref<160000x128xi32, #tpu.memory_space<hbm>> -> memref<40x128xi32, #tpu.memory_space<hbm>>
    tpu.enqueue_dma source(%dma_start3A_36 : memref<40x128xi32, #tpu.memory_space<hbm>>) target(%arg9 : memref<40x128xi32, #tpu.memory_space<vmem>>) target_semaphore(%arg14 : memref<!tpu.dma_semaphore, #tpu.memory_space<semaphore_mem>>)
    %dma_wait3A = arith.constant 1 : i32
    %dma_wait3A_37 = arith.constant 1 : i32
    %dma_wait3A_38 = arith.constant 0 : i32
    %dma_wait3A_39 = arith.constant 0 : i32
    %dma_wait3A_40 = tpu.memref_slice %arg8[%dma_wait3A_38, %dma_wait3A_39] : memref<80x128xf32, #tpu.memory_space<vmem>> -> memref<40x128xf32, #tpu.memory_space<vmem>>
    %dma_wait3A_41 = arith.constant 0 : i32
    %dma_wait3A_42 = tpu.memref_slice %arg7[%dma_wait3A, %dma_wait3A_37, %dma_wait3A_41] : memref<2x4x40xi32, #tpu.memory_space<vmem>> -> memref<1x1x40xi32, #tpu.memory_space<vmem>>
    %dma_wait3A_43 = tpu.memref_squeeze %dma_wait3A_42 : memref<1x1x40xi32, #tpu.memory_space<vmem>> -> memref<40xi32, #tpu.memory_space<vmem>>
    %dma_wait3A_44 = arith.constant 0 : i32
    %dma_wait3A_45 = arith.constant 0 : i32
    %dma_wait3A_46 = tpu.memref_slice %arg2[%dma_wait3A_44, %dma_wait3A_45] : memref<10000x128xf32, #tpu.memory_space<hbm>> -> memref<10000x128xf32, #tpu.memory_space<hbm>>
    tpu.wait_indirect_dma semaphore(%arg13 : memref<!tpu.dma_semaphore, #tpu.memory_space<semaphore_mem>>) src(%dma_wait3A_46 : memref<10000x128xf32, #tpu.memory_space<hbm>>) dst(%dma_wait3A_40 : memref<40x128xf32, #tpu.memory_space<vmem>>)
    %dma_wait3A_47 = arith.constant 1 : i32
    %dma_wait3A_48 = arith.constant 3 : i32
    %dma_wait3A_49 = arith.constant 40 : i32
    %dma_wait3A_50 = arith.constant 0 : i32
    %dma_wait3A_51 = tpu.memref_slice %arg8[%dma_wait3A_49, %dma_wait3A_50] : memref<80x128xf32, #tpu.memory_space<vmem>> -> memref<40x128xf32, #tpu.memory_space<vmem>>
    %dma_wait3A_52 = arith.constant 0 : i32
    %dma_wait3A_53 = tpu.memref_slice %arg7[%dma_wait3A_47, %dma_wait3A_48, %dma_wait3A_52] : memref<2x4x40xi32, #tpu.memory_space<vmem>> -> memref<1x1x40xi32, #tpu.memory_space<vmem>>
    %dma_wait3A_54 = tpu.memref_squeeze %dma_wait3A_53 : memref<1x1x40xi32, #tpu.memory_space<vmem>> -> memref<40xi32, #tpu.memory_space<vmem>>
    %dma_wait3A_55 = arith.constant 0 : i32
    %dma_wait3A_56 = arith.constant 0 : i32
    %dma_wait3A_57 = tpu.memref_slice %arg2[%dma_wait3A_55, %dma_wait3A_56] : memref<10000x128xf32, #tpu.memory_space<hbm>> -> memref<10000x128xf32, #tpu.memory_space<hbm>>
    tpu.wait_indirect_dma semaphore(%arg13 : memref<!tpu.dma_semaphore, #tpu.memory_space<semaphore_mem>>) src(%dma_wait3A_57 : memref<10000x128xf32, #tpu.memory_space<hbm>>) dst(%dma_wait3A_51 : memref<40x128xf32, #tpu.memory_space<vmem>>)
    %dma_wait3A_58 = arith.constant 0 : i32
    %dma_wait3A_59 = tpu.memref_slice %arg3[%multiple_of3A, %dma_wait3A_58] : memref<160000x128xi32, #tpu.memory_space<hbm>> -> memref<40x128xi32, #tpu.memory_space<hbm>>
    %dma_wait3A_60 = arith.constant 0 : i32
    %dma_wait3A_61 = tpu.memref_slice %arg3[%multiple_of3A, %dma_wait3A_60] : memref<160000x128xi32, #tpu.memory_space<hbm>> -> memref<40x128xi32, #tpu.memory_space<hbm>>
    tpu.wait_dma2 semaphore(%arg14 : memref<!tpu.dma_semaphore, #tpu.memory_space<semaphore_mem>>) src(%dma_wait3A_61 : memref<40x128xi32, #tpu.memory_space<hbm>>) dst(%arg9 : memref<40x128xi32, #tpu.memory_space<vmem>>)
    %scan3A_62 = arith.constant 0 : i32
    %scan3A_63 = arith.constant 0 : i32
    %scan3A_64 = arith.constant 40 : i32
    %scan3A_65 = arith.addi %scan3A_63, %scan3A_64 : i32
    %scan3A_66 = arith.constant 1 : i32
    scf.for %scan3A_113 = %scan3A_63 to %scan3A_65 step %scan3A_66  : i32 {
      %get3A = arith.index_cast %scan3A_113 : i32 to index
      %get3A_114 = arith.constant 0 : index
      %get3A_115 = tpu.vector_load %arg9[%get3A, %get3A_114] {strides = array<i32>} : memref<40x128xi32, #tpu.memory_space<vmem>>, vector<1x16xi32>,
      %get3A_116 = vector.shape_cast %get3A_115 : vector<1x16xi32> to vector<16xi32>
      %shift_left3A = arith.constant 16 : i32
      %shift_left3A_117 = vector.broadcast %shift_left3A : i32 to vector<16xi32>
      %shift_left3A_118 = arith.shli %get3A_116, %shift_left3A_117 : vector<16xi32>
      %bitcast_convert_type3A = tpu.bitcast %shift_left3A_118 : vector<16xi32> -> vector<16xf32>
      %and3A = arith.constant -65536 : i32
      %and3A_119 = vector.broadcast %and3A : i32 to vector<16xi32>
      %and3A_120 = arith.andi %get3A_116, %and3A_119 : vector<16xi32>
      %bitcast_convert_type3A_121 = tpu.bitcast %and3A_120 : vector<16xi32> -> vector<16xf32>
      %get3A_122 = arith.index_cast %scan3A_113 : i32 to index
      %get3A_123 = arith.constant 0 : index
      %get3A_124 = tpu.vector_load %arg8[%get3A_122, %get3A_123] {strides = array<i32>} : memref<80x128xf32, #tpu.memory_space<vmem>>, vector<1x16xf32>,
      %get3A_125 = vector.shape_cast %get3A_124 : vector<1x16xf32> to vector<16xf32>
      %mul3A_126 = arith.mulf %get3A_125, %bitcast_convert_type3A : vector<16xf32>
      %swap3A = arith.index_cast %scan3A_113 : i32 to index
      %swap3A_127 = arith.constant 0 : index
      %swap3A_128 = tpu.vector_load %arg8[%swap3A, %swap3A_127] {strides = array<i32>} : memref<80x128xf32, #tpu.memory_space<vmem>>, vector<1x16xf32>,
      %swap3A_129 = vector.shape_cast %swap3A_128 : vector<1x16xf32> to vector<16xf32>
      %swap3A_130 = vector.shape_cast %mul3A_126 : vector<16xf32> to vector<1x16xf32>
      tpu.vector_store %arg8[%swap3A, %swap3A_127], %swap3A_130 {strides = array<i32>} : memref<80x128xf32, #tpu.memory_space<vmem>>, vector<1x16xf32>,
      %add3A_131 = arith.constant 40 : i32
      %add3A_132 = arith.addi %add3A_131, %scan3A_113 : i32
      %get3A_133 = arith.index_cast %add3A_132 : i32 to index
      %get3A_134 = arith.constant 0 : index
      %get3A_135 = tpu.vector_load %arg8[%get3A_133, %get3A_134] {strides = array<i32>} : memref<80x128xf32, #tpu.memory_space<vmem>>, vector<1x16xf32>,
      %get3A_136 = vector.shape_cast %get3A_135 : vector<1x16xf32> to vector<16xf32>
      %mul3A_137 = arith.mulf %get3A_136, %bitcast_convert_type3A_121 : vector<16xf32>
      %add3A_138 = arith.constant 40 : i32
      %add3A_139 = arith.addi %add3A_138, %scan3A_113 : i32
      %swap3A_140 = arith.index_cast %add3A_139 : i32 to index
      %swap3A_141 = arith.constant 0 : index
      %swap3A_142 = tpu.vector_load %arg8[%swap3A_140, %swap3A_141] {strides = array<i32>} : memref<80x128xf32, #tpu.memory_space<vmem>>, vector<1x16xf32>,
      %swap3A_143 = vector.shape_cast %swap3A_142 : vector<1x16xf32> to vector<16xf32>
      %swap3A_144 = vector.shape_cast %mul3A_137 : vector<16xf32> to vector<1x16xf32>
      tpu.vector_store %arg8[%swap3A_140, %swap3A_141], %swap3A_144 {strides = array<i32>} : memref<80x128xf32, #tpu.memory_space<vmem>>, vector<1x16xf32>,
      %get3A_145 = arith.index_cast %scan3A_113 : i32 to index
      %get3A_146 = arith.constant 16 : index
      %get3A_147 = tpu.vector_load %arg9[%get3A_145, %get3A_146] {strides = array<i32>} : memref<40x128xi32, #tpu.memory_space<vmem>>, vector<1x16xi32>,
      %get3A_148 = vector.shape_cast %get3A_147 : vector<1x16xi32> to vector<16xi32>
      %shift_left3A_149 = arith.constant 16 : i32
      %shift_left3A_150 = vector.broadcast %shift_left3A_149 : i32 to vector<16xi32>
      %shift_left3A_151 = arith.shli %get3A_148, %shift_left3A_150 : vector<16xi32>
      %bitcast_convert_type3A_152 = tpu.bitcast %shift_left3A_151 : vector<16xi32> -> vector<16xf32>
      %and3A_153 = arith.constant -65536 : i32
      %and3A_154 = vector.broadcast %and3A_153 : i32 to vector<16xi32>
      %and3A_155 = arith.andi %get3A_148, %and3A_154 : vector<16xi32>
      %bitcast_convert_type3A_156 = tpu.bitcast %and3A_155 : vector<16xi32> -> vector<16xf32>
      %get3A_157 = arith.index_cast %scan3A_113 : i32 to index
      %get3A_158 = arith.constant 16 : index
      %get3A_159 = tpu.vector_load %arg8[%get3A_157, %get3A_158] {strides = array<i32>} : memref<80x128xf32, #tpu.memory_space<vmem>>, vector<1x16xf32>,
      %get3A_160 = vector.shape_cast %get3A_159 : vector<1x16xf32> to vector<16xf32>
      %mul3A_161 = arith.mulf %get3A_160, %bitcast_convert_type3A_152 : vector<16xf32>
      %swap3A_162 = arith.index_cast %scan3A_113 : i32 to index
      %swap3A_163 = arith.constant 16 : index
      %swap3A_164 = tpu.vector_load %arg8[%swap3A_162, %swap3A_163] {strides = array<i32>} : memref<80x128xf32, #tpu.memory_space<vmem>>, vector<1x16xf32>,
      %swap3A_165 = vector.shape_cast %swap3A_164 : vector<1x16xf32> to vector<16xf32>
      %swap3A_166 = vector.shape_cast %mul3A_161 : vector<16xf32> to vector<1x16xf32>
      tpu.vector_store %arg8[%swap3A_162, %swap3A_163], %swap3A_166 {strides = array<i32>} : memref<80x128xf32, #tpu.memory_space<vmem>>, vector<1x16xf32>,
      %add3A_167 = arith.constant 40 : i32
      %add3A_168 = arith.addi %add3A_167, %scan3A_113 : i32
      %get3A_169 = arith.index_cast %add3A_168 : i32 to index
      %get3A_170 = arith.constant 16 : index
      %get3A_171 = tpu.vector_load %arg8[%get3A_169, %get3A_170] {strides = array<i32>} : memref<80x128xf32, #tpu.memory_space<vmem>>, vector<1x16xf32>,
      %get3A_172 = vector.shape_cast %get3A_171 : vector<1x16xf32> to vector<16xf32>
      %mul3A_173 = arith.mulf %get3A_172, %bitcast_convert_type3A_156 : vector<16xf32>
      %add3A_174 = arith.constant 40 : i32
      %add3A_175 = arith.addi %add3A_174, %scan3A_113 : i32
      %swap3A_176 = arith.index_cast %add3A_175 : i32 to index
      %swap3A_177 = arith.constant 16 : index
      %swap3A_178 = tpu.vector_load %arg8[%swap3A_176, %swap3A_177] {strides = array<i32>} : memref<80x128xf32, #tpu.memory_space<vmem>>, vector<1x16xf32>,
      %swap3A_179 = vector.shape_cast %swap3A_178 : vector<1x16xf32> to vector<16xf32>
      %swap3A_180 = vector.shape_cast %mul3A_173 : vector<16xf32> to vector<1x16xf32>
      tpu.vector_store %arg8[%swap3A_176, %swap3A_177], %swap3A_180 {strides = array<i32>} : memref<80x128xf32, #tpu.memory_space<vmem>>, vector<1x16xf32>,
      %get3A_181 = arith.index_cast %scan3A_113 : i32 to index
      %get3A_182 = arith.constant 32 : index
      %get3A_183 = tpu.vector_load %arg9[%get3A_181, %get3A_182] {strides = array<i32>} : memref<40x128xi32, #tpu.memory_space<vmem>>, vector<1x16xi32>,
      %get3A_184 = vector.shape_cast %get3A_183 : vector<1x16xi32> to vector<16xi32>
      %shift_left3A_185 = arith.constant 16 : i32
      %shift_left3A_186 = vector.broadcast %shift_left3A_185 : i32 to vector<16xi32>
      %shift_left3A_187 = arith.shli %get3A_184, %shift_left3A_186 : vector<16xi32>
      %bitcast_convert_type3A_188 = tpu.bitcast %shift_left3A_187 : vector<16xi32> -> vector<16xf32>
      %and3A_189 = arith.constant -65536 : i32
      %and3A_190 = vector.broadcast %and3A_189 : i32 to vector<16xi32>
      %and3A_191 = arith.andi %get3A_184, %and3A_190 : vector<16xi32>
      %bitcast_convert_type3A_192 = tpu.bitcast %and3A_191 : vector<16xi32> -> vector<16xf32>
      %get3A_193 = arith.index_cast %scan3A_113 : i32 to index
      %get3A_194 = arith.constant 32 : index
      %get3A_195 = tpu.vector_load %arg8[%get3A_193, %get3A_194] {strides = array<i32>} : memref<80x128xf32, #tpu.memory_space<vmem>>, vector<1x16xf32>,
      %get3A_196 = vector.shape_cast %get3A_195 : vector<1x16xf32> to vector<16xf32>
      %mul3A_197 = arith.mulf %get3A_196, %bitcast_convert_type3A_188 : vector<16xf32>
      %swap3A_198 = arith.index_cast %scan3A_113 : i32 to index
      %swap3A_199 = arith.constant 32 : index
      %swap3A_200 = tpu.vector_load %arg8[%swap3A_198, %swap3A_199] {strides = array<i32>} : memref<80x128xf32, #tpu.memory_space<vmem>>, vector<1x16xf32>,
      %swap3A_201 = vector.shape_cast %swap3A_200 : vector<1x16xf32> to vector<16xf32>
      %swap3A_202 = vector.shape_cast %mul3A_197 : vector<16xf32> to vector<1x16xf32>
      tpu.vector_store %arg8[%swap3A_198, %swap3A_199], %swap3A_202 {strides = array<i32>} : memref<80x128xf32, #tpu.memory_space<vmem>>, vector<1x16xf32>,
      %add3A_203 = arith.constant 40 : i32
      %add3A_204 = arith.addi %add3A_203, %scan3A_113 : i32
      %get3A_205 = arith.index_cast %add3A_204 : i32 to index
      %get3A_206 = arith.constant 32 : index
      %get3A_207 = tpu.vector_load %arg8[%get3A_205, %get3A_206] {strides = array<i32>} : memref<80x128xf32, #tpu.memory_space<vmem>>, vector<1x16xf32>,
      %get3A_208 = vector.shape_cast %get3A_207 : vector<1x16xf32> to vector<16xf32>
      %mul3A_209 = arith.mulf %get3A_208, %bitcast_convert_type3A_192 : vector<16xf32>
      %add3A_210 = arith.constant 40 : i32
      %add3A_211 = arith.addi %add3A_210, %scan3A_113 : i32
      %swap3A_212 = arith.index_cast %add3A_211 : i32 to index
      %swap3A_213 = arith.constant 32 : index
      %swap3A_214 = tpu.vector_load %arg8[%swap3A_212, %swap3A_213] {strides = array<i32>} : memref<80x128xf32, #tpu.memory_space<vmem>>, vector<1x16xf32>,
      %swap3A_215 = vector.shape_cast %swap3A_214 : vector<1x16xf32> to vector<16xf32>
      %swap3A_216 = vector.shape_cast %mul3A_209 : vector<16xf32> to vector<1x16xf32>
      tpu.vector_store %arg8[%swap3A_212, %swap3A_213], %swap3A_216 {strides = array<i32>} : memref<80x128xf32, #tpu.memory_space<vmem>>, vector<1x16xf32>,
      %get3A_217 = arith.index_cast %scan3A_113 : i32 to index
      %get3A_218 = arith.constant 48 : index
      %get3A_219 = tpu.vector_load %arg9[%get3A_217, %get3A_218] {strides = array<i32>} : memref<40x128xi32, #tpu.memory_space<vmem>>, vector<1x16xi32>,
      %get3A_220 = vector.shape_cast %get3A_219 : vector<1x16xi32> to vector<16xi32>
      %shift_left3A_221 = arith.constant 16 : i32
      %shift_left3A_222 = vector.broadcast %shift_left3A_221 : i32 to vector<16xi32>
      %shift_left3A_223 = arith.shli %get3A_220, %shift_left3A_222 : vector<16xi32>
      %bitcast_convert_type3A_224 = tpu.bitcast %shift_left3A_223 : vector<16xi32> -> vector<16xf32>
      %and3A_225 = arith.constant -65536 : i32
      %and3A_226 = vector.broadcast %and3A_225 : i32 to vector<16xi32>
      %and3A_227 = arith.andi %get3A_220, %and3A_226 : vector<16xi32>
      %bitcast_convert_type3A_228 = tpu.bitcast %and3A_227 : vector<16xi32> -> vector<16xf32>
      %get3A_229 = arith.index_cast %scan3A_113 : i32 to index
      %get3A_230 = arith.constant 48 : index
      %get3A_231 = tpu.vector_load %arg8[%get3A_229, %get3A_230] {strides = array<i32>} : memref<80x128xf32, #tpu.memory_space<vmem>>, vector<1x16xf32>,
      %get3A_232 = vector.shape_cast %get3A_231 : vector<1x16xf32> to vector<16xf32>
      %mul3A_233 = arith.mulf %get3A_232, %bitcast_convert_type3A_224 : vector<16xf32>
      %swap3A_234 = arith.index_cast %scan3A_113 : i32 to index
      %swap3A_235 = arith.constant 48 : index
      %swap3A_236 = tpu.vector_load %arg8[%swap3A_234, %swap3A_235] {strides = array<i32>} : memref<80x128xf32, #tpu.memory_space<vmem>>, vector<1x16xf32>,
      %swap3A_237 = vector.shape_cast %swap3A_236 : vector<1x16xf32> to vector<16xf32>
      %swap3A_238 = vector.shape_cast %mul3A_233 : vector<16xf32> to vector<1x16xf32>
      tpu.vector_store %arg8[%swap3A_234, %swap3A_235], %swap3A_238 {strides = array<i32>} : memref<80x128xf32, #tpu.memory_space<vmem>>, vector<1x16xf32>,
      %add3A_239 = arith.constant 40 : i32
      %add3A_240 = arith.addi %add3A_239, %scan3A_113 : i32
      %get3A_241 = arith.index_cast %add3A_240 : i32 to index
      %get3A_242 = arith.constant 48 : index
      %get3A_243 = tpu.vector_load %arg8[%get3A_241, %get3A_242] {strides = array<i32>} : memref<80x128xf32, #tpu.memory_space<vmem>>, vector<1x16xf32>,
      %get3A_244 = vector.shape_cast %get3A_243 : vector<1x16xf32> to vector<16xf32>
      %mul3A_245 = arith.mulf %get3A_244, %bitcast_convert_type3A_228 : vector<16xf32>
      %add3A_246 = arith.constant 40 : i32
      %add3A_247 = arith.addi %add3A_246, %scan3A_113 : i32
      %swap3A_248 = arith.index_cast %add3A_247 : i32 to index
      %swap3A_249 = arith.constant 48 : index
      %swap3A_250 = tpu.vector_load %arg8[%swap3A_248, %swap3A_249] {strides = array<i32>} : memref<80x128xf32, #tpu.memory_space<vmem>>, vector<1x16xf32>,
      %swap3A_251 = vector.shape_cast %swap3A_250 : vector<1x16xf32> to vector<16xf32>
      %swap3A_252 = vector.shape_cast %mul3A_245 : vector<16xf32> to vector<1x16xf32>
      tpu.vector_store %arg8[%swap3A_248, %swap3A_249], %swap3A_252 {strides = array<i32>} : memref<80x128xf32, #tpu.memory_space<vmem>>, vector<1x16xf32>,
      %get3A_253 = arith.index_cast %scan3A_113 : i32 to index
      %get3A_254 = arith.constant 64 : index
      %get3A_255 = tpu.vector_load %arg9[%get3A_253, %get3A_254] {strides = array<i32>} : memref<40x128xi32, #tpu.memory_space<vmem>>, vector<1x16xi32>,
      %get3A_256 = vector.shape_cast %get3A_255 : vector<1x16xi32> to vector<16xi32>
      %shift_left3A_257 = arith.constant 16 : i32
      %shift_left3A_258 = vector.broadcast %shift_left3A_257 : i32 to vector<16xi32>
      %shift_left3A_259 = arith.shli %get3A_256, %shift_left3A_258 : vector<16xi32>
      %bitcast_convert_type3A_260 = tpu.bitcast %shift_left3A_259 : vector<16xi32> -> vector<16xf32>
      %and3A_261 = arith.constant -65536 : i32
      %and3A_262 = vector.broadcast %and3A_261 : i32 to vector<16xi32>
      %and3A_263 = arith.andi %get3A_256, %and3A_262 : vector<16xi32>
      %bitcast_convert_type3A_264 = tpu.bitcast %and3A_263 : vector<16xi32> -> vector<16xf32>
      %get3A_265 = arith.index_cast %scan3A_113 : i32 to index
      %get3A_266 = arith.constant 64 : index
      %get3A_267 = tpu.vector_load %arg8[%get3A_265, %get3A_266] {strides = array<i32>} : memref<80x128xf32, #tpu.memory_space<vmem>>, vector<1x16xf32>,
      %get3A_268 = vector.shape_cast %get3A_267 : vector<1x16xf32> to vector<16xf32>
      %mul3A_269 = arith.mulf %get3A_268, %bitcast_convert_type3A_260 : vector<16xf32>
      %swap3A_270 = arith.index_cast %scan3A_113 : i32 to index
      %swap3A_271 = arith.constant 64 : index
      %swap3A_272 = tpu.vector_load %arg8[%swap3A_270, %swap3A_271] {strides = array<i32>} : memref<80x128xf32, #tpu.memory_space<vmem>>, vector<1x16xf32>,
      %swap3A_273 = vector.shape_cast %swap3A_272 : vector<1x16xf32> to vector<16xf32>
      %swap3A_274 = vector.shape_cast %mul3A_269 : vector<16xf32> to vector<1x16xf32>
      tpu.vector_store %arg8[%swap3A_270, %swap3A_271], %swap3A_274 {strides = array<i32>} : memref<80x128xf32, #tpu.memory_space<vmem>>, vector<1x16xf32>,
      %add3A_275 = arith.constant 40 : i32
      %add3A_276 = arith.addi %add3A_275, %scan3A_113 : i32
      %get3A_277 = arith.index_cast %add3A_276 : i32 to index
      %get3A_278 = arith.constant 64 : index
      %get3A_279 = tpu.vector_load %arg8[%get3A_277, %get3A_278] {strides = array<i32>} : memref<80x128xf32, #tpu.memory_space<vmem>>, vector<1x16xf32>,
      %get3A_280 = vector.shape_cast %get3A_279 : vector<1x16xf32> to vector<16xf32>
      %mul3A_281 = arith.mulf %get3A_280, %bitcast_convert_type3A_264 : vector<16xf32>
      %add3A_282 = arith.constant 40 : i32
      %add3A_283 = arith.addi %add3A_282, %scan3A_113 : i32
      %swap3A_284 = arith.index_cast %add3A_283 : i32 to index
      %swap3A_285 = arith.constant 64 : index
      %swap3A_286 = tpu.vector_load %arg8[%swap3A_284, %swap3A_285] {strides = array<i32>} : memref<80x128xf32, #tpu.memory_space<vmem>>, vector<1x16xf32>,
      %swap3A_287 = vector.shape_cast %swap3A_286 : vector<1x16xf32> to vector<16xf32>
      %swap3A_288 = vector.shape_cast %mul3A_281 : vector<16xf32> to vector<1x16xf32>
      tpu.vector_store %arg8[%swap3A_284, %swap3A_285], %swap3A_288 {strides = array<i32>} : memref<80x128xf32, #tpu.memory_space<vmem>>, vector<1x16xf32>,
      %get3A_289 = arith.index_cast %scan3A_113 : i32 to index
      %get3A_290 = arith.constant 80 : index
      %get3A_291 = tpu.vector_load %arg9[%get3A_289, %get3A_290] {strides = array<i32>} : memref<40x128xi32, #tpu.memory_space<vmem>>, vector<1x16xi32>,
      %get3A_292 = vector.shape_cast %get3A_291 : vector<1x16xi32> to vector<16xi32>
      %shift_left3A_293 = arith.constant 16 : i32
      %shift_left3A_294 = vector.broadcast %shift_left3A_293 : i32 to vector<16xi32>
      %shift_left3A_295 = arith.shli %get3A_292, %shift_left3A_294 : vector<16xi32>
      %bitcast_convert_type3A_296 = tpu.bitcast %shift_left3A_295 : vector<16xi32> -> vector<16xf32>
      %and3A_297 = arith.constant -65536 : i32
      %and3A_298 = vector.broadcast %and3A_297 : i32 to vector<16xi32>
      %and3A_299 = arith.andi %get3A_292, %and3A_298 : vector<16xi32>
      %bitcast_convert_type3A_300 = tpu.bitcast %and3A_299 : vector<16xi32> -> vector<16xf32>
      %get3A_301 = arith.index_cast %scan3A_113 : i32 to index
      %get3A_302 = arith.constant 80 : index
      %get3A_303 = tpu.vector_load %arg8[%get3A_301, %get3A_302] {strides = array<i32>} : memref<80x128xf32, #tpu.memory_space<vmem>>, vector<1x16xf32>,
      %get3A_304 = vector.shape_cast %get3A_303 : vector<1x16xf32> to vector<16xf32>
      %mul3A_305 = arith.mulf %get3A_304, %bitcast_convert_type3A_296 : vector<16xf32>
      %swap3A_306 = arith.index_cast %scan3A_113 : i32 to index
      %swap3A_307 = arith.constant 80 : index
      %swap3A_308 = tpu.vector_load %arg8[%swap3A_306, %swap3A_307] {strides = array<i32>} : memref<80x128xf32, #tpu.memory_space<vmem>>, vector<1x16xf32>,
      %swap3A_309 = vector.shape_cast %swap3A_308 : vector<1x16xf32> to vector<16xf32>
      %swap3A_310 = vector.shape_cast %mul3A_305 : vector<16xf32> to vector<1x16xf32>
      tpu.vector_store %arg8[%swap3A_306, %swap3A_307], %swap3A_310 {strides = array<i32>} : memref<80x128xf32, #tpu.memory_space<vmem>>, vector<1x16xf32>,
      %add3A_311 = arith.constant 40 : i32
      %add3A_312 = arith.addi %add3A_311, %scan3A_113 : i32
      %get3A_313 = arith.index_cast %add3A_312 : i32 to index
      %get3A_314 = arith.constant 80 : index
      %get3A_315 = tpu.vector_load %arg8[%get3A_313, %get3A_314] {strides = array<i32>} : memref<80x128xf32, #tpu.memory_space<vmem>>, vector<1x16xf32>,
      %get3A_316 = vector.shape_cast %get3A_315 : vector<1x16xf32> to vector<16xf32>
      %mul3A_317 = arith.mulf %get3A_316, %bitcast_convert_type3A_300 : vector<16xf32>
      %add3A_318 = arith.constant 40 : i32
      %add3A_319 = arith.addi %add3A_318, %scan3A_113 : i32
      %swap3A_320 = arith.index_cast %add3A_319 : i32 to index
      %swap3A_321 = arith.constant 80 : index
      %swap3A_322 = tpu.vector_load %arg8[%swap3A_320, %swap3A_321] {strides = array<i32>} : memref<80x128xf32, #tpu.memory_space<vmem>>, vector<1x16xf32>,
      %swap3A_323 = vector.shape_cast %swap3A_322 : vector<1x16xf32> to vector<16xf32>
      %swap3A_324 = vector.shape_cast %mul3A_317 : vector<16xf32> to vector<1x16xf32>
      tpu.vector_store %arg8[%swap3A_320, %swap3A_321], %swap3A_324 {strides = array<i32>} : memref<80x128xf32, #tpu.memory_space<vmem>>, vector<1x16xf32>,
      %get3A_325 = arith.index_cast %scan3A_113 : i32 to index
      %get3A_326 = arith.constant 96 : index
      %get3A_327 = tpu.vector_load %arg9[%get3A_325, %get3A_326] {strides = array<i32>} : memref<40x128xi32, #tpu.memory_space<vmem>>, vector<1x16xi32>,
      %get3A_328 = vector.shape_cast %get3A_327 : vector<1x16xi32> to vector<16xi32>
      %shift_left3A_329 = arith.constant 16 : i32
      %shift_left3A_330 = vector.broadcast %shift_left3A_329 : i32 to vector<16xi32>
      %shift_left3A_331 = arith.shli %get3A_328, %shift_left3A_330 : vector<16xi32>
      %bitcast_convert_type3A_332 = tpu.bitcast %shift_left3A_331 : vector<16xi32> -> vector<16xf32>
      %and3A_333 = arith.constant -65536 : i32
      %and3A_334 = vector.broadcast %and3A_333 : i32 to vector<16xi32>
      %and3A_335 = arith.andi %get3A_328, %and3A_334 : vector<16xi32>
      %bitcast_convert_type3A_336 = tpu.bitcast %and3A_335 : vector<16xi32> -> vector<16xf32>
      %get3A_337 = arith.index_cast %scan3A_113 : i32 to index
      %get3A_338 = arith.constant 96 : index
      %get3A_339 = tpu.vector_load %arg8[%get3A_337, %get3A_338] {strides = array<i32>} : memref<80x128xf32, #tpu.memory_space<vmem>>, vector<1x16xf32>,
      %get3A_340 = vector.shape_cast %get3A_339 : vector<1x16xf32> to vector<16xf32>
      %mul3A_341 = arith.mulf %get3A_340, %bitcast_convert_type3A_332 : vector<16xf32>
      %swap3A_342 = arith.index_cast %scan3A_113 : i32 to index
      %swap3A_343 = arith.constant 96 : index
      %swap3A_344 = tpu.vector_load %arg8[%swap3A_342, %swap3A_343] {strides = array<i32>} : memref<80x128xf32, #tpu.memory_space<vmem>>, vector<1x16xf32>,
      %swap3A_345 = vector.shape_cast %swap3A_344 : vector<1x16xf32> to vector<16xf32>
      %swap3A_346 = vector.shape_cast %mul3A_341 : vector<16xf32> to vector<1x16xf32>
      tpu.vector_store %arg8[%swap3A_342, %swap3A_343], %swap3A_346 {strides = array<i32>} : memref<80x128xf32, #tpu.memory_space<vmem>>, vector<1x16xf32>,
      %add3A_347 = arith.constant 40 : i32
      %add3A_348 = arith.addi %add3A_347, %scan3A_113 : i32
      %get3A_349 = arith.index_cast %add3A_348 : i32 to index
      %get3A_350 = arith.constant 96 : index
      %get3A_351 = tpu.vector_load %arg8[%get3A_349, %get3A_350] {strides = array<i32>} : memref<80x128xf32, #tpu.memory_space<vmem>>, vector<1x16xf32>,
      %get3A_352 = vector.shape_cast %get3A_351 : vector<1x16xf32> to vector<16xf32>
      %mul3A_353 = arith.mulf %get3A_352, %bitcast_convert_type3A_336 : vector<16xf32>
      %add3A_354 = arith.constant 40 : i32
      %add3A_355 = arith.addi %add3A_354, %scan3A_113 : i32
      %swap3A_356 = arith.index_cast %add3A_355 : i32 to index
      %swap3A_357 = arith.constant 96 : index
      %swap3A_358 = tpu.vector_load %arg8[%swap3A_356, %swap3A_357] {strides = array<i32>} : memref<80x128xf32, #tpu.memory_space<vmem>>, vector<1x16xf32>,
      %swap3A_359 = vector.shape_cast %swap3A_358 : vector<1x16xf32> to vector<16xf32>
      %swap3A_360 = vector.shape_cast %mul3A_353 : vector<16xf32> to vector<1x16xf32>
      tpu.vector_store %arg8[%swap3A_356, %swap3A_357], %swap3A_360 {strides = array<i32>} : memref<80x128xf32, #tpu.memory_space<vmem>>, vector<1x16xf32>,
      %get3A_361 = arith.index_cast %scan3A_113 : i32 to index
      %get3A_362 = arith.constant 112 : index
      %get3A_363 = tpu.vector_load %arg9[%get3A_361, %get3A_362] {strides = array<i32>} : memref<40x128xi32, #tpu.memory_space<vmem>>, vector<1x16xi32>,
      %get3A_364 = vector.shape_cast %get3A_363 : vector<1x16xi32> to vector<16xi32>
      %shift_left3A_365 = arith.constant 16 : i32
      %shift_left3A_366 = vector.broadcast %shift_left3A_365 : i32 to vector<16xi32>
      %shift_left3A_367 = arith.shli %get3A_364, %shift_left3A_366 : vector<16xi32>
      %bitcast_convert_type3A_368 = tpu.bitcast %shift_left3A_367 : vector<16xi32> -> vector<16xf32>
      %and3A_369 = arith.constant -65536 : i32
      %and3A_370 = vector.broadcast %and3A_369 : i32 to vector<16xi32>
      %and3A_371 = arith.andi %get3A_364, %and3A_370 : vector<16xi32>
      %bitcast_convert_type3A_372 = tpu.bitcast %and3A_371 : vector<16xi32> -> vector<16xf32>
      %get3A_373 = arith.index_cast %scan3A_113 : i32 to index
      %get3A_374 = arith.constant 112 : index
      %get3A_375 = tpu.vector_load %arg8[%get3A_373, %get3A_374] {strides = array<i32>} : memref<80x128xf32, #tpu.memory_space<vmem>>, vector<1x16xf32>,
      %get3A_376 = vector.shape_cast %get3A_375 : vector<1x16xf32> to vector<16xf32>
      %mul3A_377 = arith.mulf %get3A_376, %bitcast_convert_type3A_368 : vector<16xf32>
      %swap3A_378 = arith.index_cast %scan3A_113 : i32 to index
      %swap3A_379 = arith.constant 112 : index
      %swap3A_380 = tpu.vector_load %arg8[%swap3A_378, %swap3A_379] {strides = array<i32>} : memref<80x128xf32, #tpu.memory_space<vmem>>, vector<1x16xf32>,
      %swap3A_381 = vector.shape_cast %swap3A_380 : vector<1x16xf32> to vector<16xf32>
      %swap3A_382 = vector.shape_cast %mul3A_377 : vector<16xf32> to vector<1x16xf32>
      tpu.vector_store %arg8[%swap3A_378, %swap3A_379], %swap3A_382 {strides = array<i32>} : memref<80x128xf32, #tpu.memory_space<vmem>>, vector<1x16xf32>,
      %add3A_383 = arith.constant 40 : i32
      %add3A_384 = arith.addi %add3A_383, %scan3A_113 : i32
      %get3A_385 = arith.index_cast %add3A_384 : i32 to index
      %get3A_386 = arith.constant 112 : index
      %get3A_387 = tpu.vector_load %arg8[%get3A_385, %get3A_386] {strides = array<i32>} : memref<80x128xf32, #tpu.memory_space<vmem>>, vector<1x16xf32>,
      %get3A_388 = vector.shape_cast %get3A_387 : vector<1x16xf32> to vector<16xf32>
      %mul3A_389 = arith.mulf %get3A_388, %bitcast_convert_type3A_372 : vector<16xf32>
      %add3A_390 = arith.constant 40 : i32
      %add3A_391 = arith.addi %add3A_390, %scan3A_113 : i32
      %swap3A_392 = arith.index_cast %add3A_391 : i32 to index
      %swap3A_393 = arith.constant 112 : index
      %swap3A_394 = tpu.vector_load %arg8[%swap3A_392, %swap3A_393] {strides = array<i32>} : memref<80x128xf32, #tpu.memory_space<vmem>>, vector<1x16xf32>,
      %swap3A_395 = vector.shape_cast %swap3A_394 : vector<1x16xf32> to vector<16xf32>
      %swap3A_396 = vector.shape_cast %mul3A_389 : vector<16xf32> to vector<1x16xf32>
      tpu.vector_store %arg8[%swap3A_392, %swap3A_393], %swap3A_396 {strides = array<i32>} : memref<80x128xf32, #tpu.memory_space<vmem>>, vector<1x16xf32>,
    }
    %scan3A_67 = arith.constant 40 : i32
    %dma_start3A_68 = arith.constant 1 : i32
    %dma_start3A_69 = arith.constant 0 : i32
    %dma_start3A_70 = arith.constant 0 : i32
    %dma_start3A_71 = arith.constant 0 : i32
    %dma_start3A_72 = tpu.memref_slice %arg8[%dma_start3A_70, %dma_start3A_71] : memref<80x128xf32, #tpu.memory_space<vmem>> -> memref<40x128xf32, #tpu.memory_space<vmem>>
    %dma_start3A_73 = arith.constant 0 : i32
    %dma_start3A_74 = tpu.memref_slice %arg7[%dma_start3A_68, %dma_start3A_69, %dma_start3A_73] : memref<2x4x40xi32, #tpu.memory_space<vmem>> -> memref<1x1x40xi32, #tpu.memory_space<vmem>>
    %dma_start3A_75 = tpu.memref_squeeze %dma_start3A_74 : memref<1x1x40xi32, #tpu.memory_space<vmem>> -> memref<40xi32, #tpu.memory_space<vmem>>
    %dma_start3A_76 = arith.constant 0 : i32
    %dma_start3A_77 = arith.constant 0 : i32
    %dma_start3A_78 = tpu.memref_slice %arg12[%dma_start3A_76, %dma_start3A_77] : memref<10240x128xf32, #tpu.memory_space<vmem_shared>> -> memref<10240x128xf32, #tpu.memory_space<vmem_shared>>
    tpu.enqueue_indirect_dma source(%dma_start3A_72 : memref<40x128xf32, #tpu.memory_space<vmem>>) target(%dma_start3A_78 : memref<10240x128xf32, #tpu.memory_space<vmem_shared>>) offsets(%dma_start3A_75 : memref<40xi32, #tpu.memory_space<vmem>>) semaphore(%arg15 : memref<!tpu.dma_semaphore, #tpu.memory_space<semaphore_mem>>) {add = true}
    %dma_start3A_79 = arith.constant 1 : i32
    %dma_start3A_80 = arith.constant 2 : i32
    %dma_start3A_81 = arith.constant 40 : i32
    %dma_start3A_82 = arith.constant 0 : i32
    %dma_start3A_83 = tpu.memref_slice %arg8[%dma_start3A_81, %dma_start3A_82] : memref<80x128xf32, #tpu.memory_space<vmem>> -> memref<40x128xf32, #tpu.memory_space<vmem>>
    %dma_start3A_84 = arith.constant 0 : i32
    %dma_start3A_85 = tpu.memref_slice %arg7[%dma_start3A_79, %dma_start3A_80, %dma_start3A_84] : memref<2x4x40xi32, #tpu.memory_space<vmem>> -> memref<1x1x40xi32, #tpu.memory_space<vmem>>
    %dma_start3A_86 = tpu.memref_squeeze %dma_start3A_85 : memref<1x1x40xi32, #tpu.memory_space<vmem>> -> memref<40xi32, #tpu.memory_space<vmem>>
    %dma_start3A_87 = arith.constant 0 : i32
    %dma_start3A_88 = arith.constant 0 : i32
    %dma_start3A_89 = tpu.memref_slice %arg12[%dma_start3A_87, %dma_start3A_88] : memref<10240x128xf32, #tpu.memory_space<vmem_shared>> -> memref<10240x128xf32, #tpu.memory_space<vmem_shared>>
    tpu.enqueue_indirect_dma source(%dma_start3A_83 : memref<40x128xf32, #tpu.memory_space<vmem>>) target(%dma_start3A_89 : memref<10240x128xf32, #tpu.memory_space<vmem_shared>>) offsets(%dma_start3A_86 : memref<40xi32, #tpu.memory_space<vmem>>) semaphore(%arg15 : memref<!tpu.dma_semaphore, #tpu.memory_space<semaphore_mem>>) {add = true}
    %dma_wait3A_90 = arith.constant 1 : i32
    %dma_wait3A_91 = arith.constant 0 : i32
    %dma_wait3A_92 = arith.constant 0 : i32
    %dma_wait3A_93 = arith.constant 0 : i32
    %dma_wait3A_94 = tpu.memref_slice %arg8[%dma_wait3A_92, %dma_wait3A_93] : memref<80x128xf32, #tpu.memory_space<vmem>> -> memref<40x128xf32, #tpu.memory_space<vmem>>
    %dma_wait3A_95 = arith.constant 0 : i32
    %dma_wait3A_96 = tpu.memref_slice %arg7[%dma_wait3A_90, %dma_wait3A_91, %dma_wait3A_95] : memref<2x4x40xi32, #tpu.memory_space<vmem>> -> memref<1x1x40xi32, #tpu.memory_space<vmem>>
    %dma_wait3A_97 = tpu.memref_squeeze %dma_wait3A_96 : memref<1x1x40xi32, #tpu.memory_space<vmem>> -> memref<40xi32, #tpu.memory_space<vmem>>
    %dma_wait3A_98 = arith.constant 0 : i32
    %dma_wait3A_99 = arith.constant 0 : i32
    %dma_wait3A_100 = tpu.memref_slice %arg12[%dma_wait3A_98, %dma_wait3A_99] : memref<10240x128xf32, #tpu.memory_space<vmem_shared>> -> memref<10240x128xf32, #tpu.memory_space<vmem_shared>>
    tpu.wait_indirect_dma semaphore(%arg15 : memref<!tpu.dma_semaphore, #tpu.memory_space<semaphore_mem>>) src(%dma_wait3A_94 : memref<40x128xf32, #tpu.memory_space<vmem>>) dst(%dma_wait3A_100 : memref<10240x128xf32, #tpu.memory_space<vmem_shared>>)
    %dma_wait3A_101 = arith.constant 1 : i32
    %dma_wait3A_102 = arith.constant 2 : i32
    %dma_wait3A_103 = arith.constant 40 : i32
    %dma_wait3A_104 = arith.constant 0 : i32
    %dma_wait3A_105 = tpu.memref_slice %arg8[%dma_wait3A_103, %dma_wait3A_104] : memref<80x128xf32, #tpu.memory_space<vmem>> -> memref<40x128xf32, #tpu.memory_space<vmem>>
    %dma_wait3A_106 = arith.constant 0 : i32
    %dma_wait3A_107 = tpu.memref_slice %arg7[%dma_wait3A_101, %dma_wait3A_102, %dma_wait3A_106] : memref<2x4x40xi32, #tpu.memory_space<vmem>> -> memref<1x1x40xi32, #tpu.memory_space<vmem>>
    %dma_wait3A_108 = tpu.memref_squeeze %dma_wait3A_107 : memref<1x1x40xi32, #tpu.memory_space<vmem>> -> memref<40xi32, #tpu.memory_space<vmem>>
    %dma_wait3A_109 = arith.constant 0 : i32
    %dma_wait3A_110 = arith.constant 0 : i32
    %dma_wait3A_111 = tpu.memref_slice %arg12[%dma_wait3A_109, %dma_wait3A_110] : memref<10240x128xf32, #tpu.memory_space<vmem_shared>> -> memref<10240x128xf32, #tpu.memory_space<vmem_shared>>
    tpu.wait_indirect_dma semaphore(%arg15 : memref<!tpu.dma_semaphore, #tpu.memory_space<semaphore_mem>>) src(%dma_wait3A_105 : memref<40x128xf32, #tpu.memory_space<vmem>>) dst(%dma_wait3A_111 : memref<10240x128xf32, #tpu.memory_space<vmem_shared>>)
    %barrier3A_112 = arith.constant 0 : index
    tpu.barrier barrier_id(%barrier3A_112)
    "tpu.region"() ({
      %run_scoped3A = tpu.sem_alloc : memref<!tpu.dma_semaphore, #tpu.memory_space<semaphore_mem>>
      %dma_start3A_113 = arith.constant 0 : i32
      %dma_start3A_114 = tpu.memref_slice %arg6[%arg0, %mul3A_4, %dma_start3A_113] : memref<2x10240x128xf32, #tpu.memory_space<hbm>> -> memref<1x640x128xf32, #tpu.memory_space<hbm>>
      %dma_start3A_115 = tpu.memref_squeeze %dma_start3A_114 : memref<1x640x128xf32, #tpu.memory_space<hbm>> -> memref<640x128xf32, #tpu.memory_space<hbm>>
      %dma_start3A_116 = arith.constant 0 : i32
      %dma_start3A_117 = tpu.memref_slice %arg12[%mul3A_4, %dma_start3A_116] : memref<10240x128xf32, #tpu.memory_space<vmem_shared>> -> memref<640x128xf32, #tpu.memory_space<vmem_shared>>
      tpu.enqueue_dma source(%dma_start3A_117 : memref<640x128xf32, #tpu.memory_space<vmem_shared>>) target(%dma_start3A_115 : memref<640x128xf32, #tpu.memory_space<hbm>>) target_semaphore(%run_scoped3A : memref<!tpu.dma_semaphore, #tpu.memory_space<semaphore_mem>>)
      %dma_wait3A_118 = arith.constant 0 : i32
      %dma_wait3A_119 = tpu.memref_slice %arg6[%arg0, %mul3A_4, %dma_wait3A_118] : memref<2x10240x128xf32, #tpu.memory_space<hbm>> -> memref<1x640x128xf32, #tpu.memory_space<hbm>>
      %dma_wait3A_120 = tpu.memref_squeeze %dma_wait3A_119 : memref<1x640x128xf32, #tpu.memory_space<hbm>> -> memref<640x128xf32, #tpu.memory_space<hbm>>
      %dma_wait3A_121 = arith.constant 0 : i32
      %dma_wait3A_122 = tpu.memref_slice %arg12[%mul3A_4, %dma_wait3A_121] : memref<10240x128xf32, #tpu.memory_space<vmem_shared>> -> memref<640x128xf32, #tpu.memory_space<vmem_shared>>
      tpu.wait_dma2 semaphore(%run_scoped3A : memref<!tpu.dma_semaphore, #tpu.memory_space<semaphore_mem>>) src(%dma_wait3A_122 : memref<640x128xf32, #tpu.memory_space<vmem_shared>>) dst(%dma_wait3A_120 : memref<640x128xf32, #tpu.memory_space<hbm>>)
      tpu.yield
    }) : () -> ()
    return
  }
}

module attributes {stable_mosaic.version = 14 : i64} {
  func.func @_h_body(%arg0: i32, %arg1: memref<2000x128xf32, #tpu.memory_space<vmem>>, %arg2: memref<128x128xf32, #tpu.memory_space<vmem>>, %arg3: memref<2000x128xf32, #tpu.memory_space<vmem>>) attributes {dimension_semantics = [#tpu.dimension_semantics<arbitrary>], iteration_bounds = array<i64: 5>, scalar_prefetch = 0 : i64, scratch_operands = 0 : i64, tpu.core_type = #tpu.core_type<tc>, window_params = [{transform_indices = @transform_0, window_bounds = array<i64: 2000, 128>}, {pipeline_mode = #tpu.pipeline_mode<synchronous>, transform_indices = @transform_1, window_bounds = array<i64: 128, 128>}, {transform_indices = @transform_2, window_bounds = array<i64: 2000, 128>}]} {
    %get3A = arith.constant 0 : index
    %get3A_0 = arith.constant 0 : index
    %get3A_1 = vector.load %arg1[%get3A, %get3A_0] : memref<2000x128xf32, #tpu.memory_space<vmem>>, vector<2000x128xf32>
    %get3A_2 = arith.constant 0 : index
    %get3A_3 = arith.constant 0 : index
    %get3A_4 = vector.load %arg2[%get3A_2, %get3A_3] : memref<128x128xf32, #tpu.memory_space<vmem>>, vector<128x128xf32>
    %dot_general3A = arith.constant dense<0.000000e+00> : vector<2000x128xf32>
    %dot_general3A_5 = tpu.matmul %get3A_1, %get3A_4, %dot_general3A {dimension_numbers = #tpu.dot_dimension_numbers<[1], [0], [0], [1], [0, 0, 1, 1], [], []>, transpose_lhs_hint = false} : vector<2000x128xf32>, vector<128x128xf32>, vector<2000x128xf32> -> vector<2000x128xf32>
    %swap3A = arith.constant 0 : index
    %swap3A_6 = arith.constant 0 : index
    %swap3A_7 = vector.load %arg3[%swap3A, %swap3A_6] : memref<2000x128xf32, #tpu.memory_space<vmem>>, vector<2000x128xf32>
    tpu.vector_store %arg3[%swap3A, %swap3A_6], %dot_general3A_5 {strides = array<i32>} : memref<2000x128xf32, #tpu.memory_space<vmem>>, vector<2000x128xf32>,
    return
  }
  func.func @transform_0(%arg0: i32) -> (i32, i32) {
    %c0_i32 = arith.constant 0 : i32
    %c0_i32_0 = arith.constant 0 : i32
    return %arg0, %c0_i32 : i32, i32
  }
  func.func @transform_1(%arg0: i32) -> (i32, i32) {
    %c0_i32 = arith.constant 0 : i32
    %c0_i32_0 = arith.constant 0 : i32
    %c0_i32_1 = arith.constant 0 : i32
    return %c0_i32, %c0_i32_0 : i32, i32
  }
  func.func @transform_2(%arg0: i32) -> (i32, i32) {
    %c0_i32 = arith.constant 0 : i32
    %c0_i32_0 = arith.constant 0 : i32
    return %arg0, %c0_i32 : i32, i32
  }
}

module attributes {stable_mosaic.version = 14 : i64} {
  func.func @_wij_body(%arg0: i32, %arg1: memref<2000x32xf32, #tpu.memory_space<vmem>>, %arg2: memref<2000x2xf32, #tpu.memory_space<vmem>>, %arg3: memref<32x256xf32, #tpu.memory_space<vmem>>, %arg4: memref<1x256xf32, #tpu.memory_space<vmem>>, %arg5: memref<128x128xf32, #tpu.memory_space<vmem>>, %arg6: memref<1x128xf32, #tpu.memory_space<vmem>>, %arg7: memref<2000x128xi32, #tpu.memory_space<vmem>>) attributes {dimension_semantics = [#tpu.dimension_semantics<arbitrary>], iteration_bounds = array<i64: 80>, scalar_prefetch = 0 : i64, scratch_operands = 0 : i64, tpu.core_type = #tpu.core_type<tc>, window_params = [{transform_indices = @transform_0, window_bounds = array<i64: 2000, 32>}, {transform_indices = @transform_1, window_bounds = array<i64: 2000, 2>}, {pipeline_mode = #tpu.pipeline_mode<synchronous>, transform_indices = @transform_2, window_bounds = array<i64: 32, 256>}, {pipeline_mode = #tpu.pipeline_mode<synchronous>, transform_indices = @transform_3, window_bounds = array<i64: 1, 256>}, {pipeline_mode = #tpu.pipeline_mode<synchronous>, transform_indices = @transform_4, window_bounds = array<i64: 128, 128>}, {pipeline_mode = #tpu.pipeline_mode<synchronous>, transform_indices = @transform_5, window_bounds = array<i64: 1, 128>}, {transform_indices = @transform_6, window_bounds = array<i64: 2000, 128>}]} {
    %get3A = arith.constant 0 : index
    %get3A_0 = arith.constant 0 : index
    %get3A_1 = vector.load %arg1[%get3A, %get3A_0] : memref<2000x32xf32, #tpu.memory_space<vmem>>, vector<2000x32xf32>
    %get3A_2 = arith.constant 0 : index
    %get3A_3 = arith.constant 0 : index
    %get3A_4 = vector.load %arg3[%get3A_2, %get3A_3] : memref<32x256xf32, #tpu.memory_space<vmem>>, vector<32x256xf32>
    %dot_general3A = arith.constant dense<0.000000e+00> : vector<2000x256xf32>
    %dot_general3A_5 = tpu.matmul %get3A_1, %get3A_4, %dot_general3A {dimension_numbers = #tpu.dot_dimension_numbers<[1], [0], [0], [1], [0, 0, 1, 1], [], []>, transpose_lhs_hint = false} : vector<2000x32xf32>, vector<32x256xf32>, vector<2000x256xf32> -> vector<2000x256xf32>
    %get3A_6 = arith.constant 0 : index
    %get3A_7 = arith.constant 0 : index
    %get3A_8 = vector.load %arg4[%get3A_6, %get3A_7] : memref<1x256xf32, #tpu.memory_space<vmem>>, vector<1x256xf32>
    %add3A = vector.broadcast %get3A_8 : vector<1x256xf32> to vector<2000x256xf32>
    %add3A_9 = arith.addf %dot_general3A_5, %add3A : vector<2000x256xf32>
    %mul3A = arith.constant 1.010000e+00 : f32
    %mul3A_10 = vector.broadcast %mul3A : f32 to vector<2000x256xf32>
    %mul3A_11 = arith.mulf %mul3A_10, %add3A_9 : vector<2000x256xf32>
    %mul3A_12 = arith.constant 9.900000e-01 : f32
    %mul3A_13 = vector.broadcast %mul3A_12 : f32 to vector<2000x256xf32>
    %mul3A_14 = arith.mulf %mul3A_13, %add3A_9 : vector<2000x256xf32>
    %mul3A_15 = arith.constant 2.475000e+00 : f32
    %mul3A_16 = vector.broadcast %mul3A_15 : f32 to vector<2000x256xf32>
    %mul3A_17 = arith.mulf %mul3A_16, %add3A_9 : vector<2000x256xf32>
    %erf3A = math.erf %mul3A_17 : vector<2000x256xf32>
    %mul3A_18 = arith.mulf %mul3A_14, %erf3A : vector<2000x256xf32>
    %add3A_19 = arith.addf %mul3A_11, %mul3A_18 : vector<2000x256xf32>
    %div3A = arith.constant 2.000000e+00 : f32
    %div3A_20 = vector.broadcast %div3A : f32 to vector<2000x256xf32>
    %div3A_21 = arith.divf %add3A_19, %div3A_20 : vector<2000x256xf32>
    %slice3A = vector.extract_strided_slice %div3A_21 {offsets = [0, 0], sizes = [2000, 128], strides = [1, 1]} : vector<2000x256xf32> to vector<2000x128xf32>
    %get3A_22 = arith.constant 0 : index
    %get3A_23 = arith.constant 0 : index
    %get3A_24 = vector.load %arg5[%get3A_22, %get3A_23] : memref<128x128xf32, #tpu.memory_space<vmem>>, vector<128x128xf32>
    %dot_general3A_25 = arith.constant dense<0.000000e+00> : vector<2000x128xf32>
    %dot_general3A_26 = tpu.matmul %slice3A, %get3A_24, %dot_general3A_25 {dimension_numbers = #tpu.dot_dimension_numbers<[1], [0], [0], [1], [0, 0, 1, 1], [], []>, transpose_lhs_hint = false} : vector<2000x128xf32>, vector<128x128xf32>, vector<2000x128xf32> -> vector<2000x128xf32>
    %get3A_27 = arith.constant 0 : index
    %get3A_28 = arith.constant 0 : index
    %get3A_29 = vector.load %arg6[%get3A_27, %get3A_28] : memref<1x128xf32, #tpu.memory_space<vmem>>, vector<1x128xf32>
    %add3A_30 = vector.broadcast %get3A_29 : vector<1x128xf32> to vector<2000x128xf32>
    %add3A_31 = arith.addf %dot_general3A_26, %add3A_30 : vector<2000x128xf32>
    %get3A_32 = arith.constant 0 : index
    %get3A_33 = arith.constant 0 : index
    %get3A_34 = vector.load %arg2[%get3A_32, %get3A_33] : memref<2000x2xf32, #tpu.memory_space<vmem>>, vector<2000x1xf32>
    %mul3A_35 = vector.broadcast %get3A_34 : vector<2000x1xf32> to vector<2000x128xf32>
    %mul3A_36 = arith.mulf %add3A_31, %mul3A_35 : vector<2000x128xf32>
    %slice3A_37 = vector.extract_strided_slice %div3A_21 {offsets = [0, 128], sizes = [2000, 128], strides = [1, 1]} : vector<2000x256xf32> to vector<2000x128xf32>
    %get3A_38 = arith.constant 0 : index
    %get3A_39 = arith.constant 0 : index
    %get3A_40 = vector.load %arg5[%get3A_38, %get3A_39] : memref<128x128xf32, #tpu.memory_space<vmem>>, vector<128x128xf32>
    %dot_general3A_41 = arith.constant dense<0.000000e+00> : vector<2000x128xf32>
    %dot_general3A_42 = tpu.matmul %slice3A_37, %get3A_40, %dot_general3A_41 {dimension_numbers = #tpu.dot_dimension_numbers<[1], [0], [0], [1], [0, 0, 1, 1], [], []>, transpose_lhs_hint = false} : vector<2000x128xf32>, vector<128x128xf32>, vector<2000x128xf32> -> vector<2000x128xf32>
    %get3A_43 = arith.constant 0 : index
    %get3A_44 = arith.constant 0 : index
    %get3A_45 = vector.load %arg6[%get3A_43, %get3A_44] : memref<1x128xf32, #tpu.memory_space<vmem>>, vector<1x128xf32>
    %add3A_46 = vector.broadcast %get3A_45 : vector<1x128xf32> to vector<2000x128xf32>
    %add3A_47 = arith.addf %dot_general3A_42, %add3A_46 : vector<2000x128xf32>
    %get3A_48 = arith.constant 0 : index
    %get3A_49 = arith.constant 1 : index
    %get3A_50 = vector.load %arg2[%get3A_48, %get3A_49] : memref<2000x2xf32, #tpu.memory_space<vmem>>, vector<2000x1xf32>
    %mul3A_51 = vector.broadcast %get3A_50 : vector<2000x1xf32> to vector<2000x128xf32>
    %mul3A_52 = arith.mulf %add3A_47, %mul3A_51 : vector<2000x128xf32>
    %convert_element_type3A = arith.truncf %mul3A_36 : vector<2000x128xf32> to vector<2000x128xbf16>
    %bitcast_convert_type3A = tpu.bitcast %convert_element_type3A : vector<2000x128xbf16> -> vector<2000x128xi16>
    %convert_element_type3A_53 = arith.extui %bitcast_convert_type3A : vector<2000x128xi16> to vector<2000x128xi32>
    %convert_element_type3A_54 = arith.truncf %mul3A_52 : vector<2000x128xf32> to vector<2000x128xbf16>
    %bitcast_convert_type3A_55 = tpu.bitcast %convert_element_type3A_54 : vector<2000x128xbf16> -> vector<2000x128xi16>
    %convert_element_type3A_56 = arith.extui %bitcast_convert_type3A_55 : vector<2000x128xi16> to vector<2000x128xi32>
    %shift_left3A = arith.constant 16 : i32
    %shift_left3A_57 = vector.broadcast %shift_left3A : i32 to vector<2000x128xi32>
    %shift_left3A_58 = arith.shli %convert_element_type3A_56, %shift_left3A_57 : vector<2000x128xi32>
    %or3A = arith.ori %convert_element_type3A_53, %shift_left3A_58 : vector<2000x128xi32>
    %bitcast_convert_type3A_59 = tpu.bitcast %or3A : vector<2000x128xi32> -> vector<2000x128xi32>
    %swap3A = arith.constant 0 : index
    %swap3A_60 = arith.constant 0 : index
    %swap3A_61 = vector.load %arg7[%swap3A, %swap3A_60] : memref<2000x128xi32, #tpu.memory_space<vmem>>, vector<2000x128xi32>
    tpu.vector_store %arg7[%swap3A, %swap3A_60], %bitcast_convert_type3A_59 {strides = array<i32>} : memref<2000x128xi32, #tpu.memory_space<vmem>>, vector<2000x128xi32>,
    return
  }
  func.func @transform_0(%arg0: i32) -> (i32, i32) {
    %c0_i32 = arith.constant 0 : i32
    %c0_i32_0 = arith.constant 0 : i32
    return %arg0, %c0_i32 : i32, i32
  }
  func.func @transform_1(%arg0: i32) -> (i32, i32) {
    %c0_i32 = arith.constant 0 : i32
    %c0_i32_0 = arith.constant 0 : i32
    return %arg0, %c0_i32 : i32, i32
  }
  func.func @transform_2(%arg0: i32) -> (i32, i32) {
    %c0_i32 = arith.constant 0 : i32
    %c0_i32_0 = arith.constant 0 : i32
    %c0_i32_1 = arith.constant 0 : i32
    return %c0_i32, %c0_i32_0 : i32, i32
  }
  func.func @transform_3(%arg0: i32) -> (i32, i32) {
    %c0_i32 = arith.constant 0 : i32
    %c0_i32_0 = arith.constant 0 : i32
    %c0_i32_1 = arith.constant 0 : i32
    return %c0_i32, %c0_i32_0 : i32, i32
  }
  func.func @transform_4(%arg0: i32) -> (i32, i32) {
    %c0_i32 = arith.constant 0 : i32
    %c0_i32_0 = arith.constant 0 : i32
    %c0_i32_1 = arith.constant 0 : i32
    return %c0_i32, %c0_i32_0 : i32, i32
  }
  func.func @transform_5(%arg0: i32) -> (i32, i32) {
    %c0_i32 = arith.constant 0 : i32
    %c0_i32_0 = arith.constant 0 : i32
    %c0_i32_1 = arith.constant 0 : i32
    return %c0_i32, %c0_i32_0 : i32, i32
  }
  func.func @transform_6(%arg0: i32) -> (i32, i32) {
    %c0_i32 = arith.constant 0 : i32
    %c0_i32_0 = arith.constant 0 : i32
    return %arg0, %c0_i32 : i32, i32
  }
}

module attributes {stable_mosaic.version = 14 : i64} {
  func.func @_out_body(%arg0: i32, %arg1: memref<2000x128xf32, #tpu.memory_space<vmem>>, %arg2: memref<2000x128xf32, #tpu.memory_space<vmem>>, %arg3: memref<128x128xf32, #tpu.memory_space<vmem>>, %arg4: memref<1x128xf32, #tpu.memory_space<vmem>>, %arg5: memref<128x128xf32, #tpu.memory_space<vmem>>, %arg6: memref<1x128xf32, #tpu.memory_space<vmem>>, %arg7: memref<2000x128xf32, #tpu.memory_space<vmem>>) attributes {dimension_semantics = [#tpu.dimension_semantics<arbitrary>], iteration_bounds = array<i64: 5>, scalar_prefetch = 0 : i64, scratch_operands = 0 : i64, tpu.core_type = #tpu.core_type<tc>, window_params = [{transform_indices = @transform_0, window_bounds = array<i64: 2000, 128>}, {transform_indices = @transform_1, window_bounds = array<i64: 2000, 128>}, {pipeline_mode = #tpu.pipeline_mode<synchronous>, transform_indices = @transform_2, window_bounds = array<i64: 128, 128>}, {pipeline_mode = #tpu.pipeline_mode<synchronous>, transform_indices = @transform_3, window_bounds = array<i64: 1, 128>}, {pipeline_mode = #tpu.pipeline_mode<synchronous>, transform_indices = @transform_4, window_bounds = array<i64: 128, 128>}, {pipeline_mode = #tpu.pipeline_mode<synchronous>, transform_indices = @transform_5, window_bounds = array<i64: 1, 128>}, {transform_indices = @transform_6, window_bounds = array<i64: 2000, 128>}]} {
    %get3A = arith.constant 0 : index
    %get3A_0 = arith.constant 0 : index
    %get3A_1 = vector.load %arg1[%get3A, %get3A_0] : memref<2000x128xf32, #tpu.memory_space<vmem>>, vector<2000x128xf32>
    %get3A_2 = arith.constant 0 : index
    %get3A_3 = arith.constant 0 : index
    %get3A_4 = vector.load %arg2[%get3A_2, %get3A_3] : memref<2000x128xf32, #tpu.memory_space<vmem>>, vector<2000x128xf32>
    %add3A = arith.addf %get3A_1, %get3A_4 : vector<2000x128xf32>
    %get3A_5 = arith.constant 0 : index
    %get3A_6 = arith.constant 0 : index
    %get3A_7 = vector.load %arg3[%get3A_5, %get3A_6] : memref<128x128xf32, #tpu.memory_space<vmem>>, vector<128x128xf32>
    %dot_general3A = arith.constant dense<0.000000e+00> : vector<2000x128xf32>
    %dot_general3A_8 = tpu.matmul %add3A, %get3A_7, %dot_general3A {dimension_numbers = #tpu.dot_dimension_numbers<[1], [0], [0], [1], [0, 0, 1, 1], [], []>, transpose_lhs_hint = false} : vector<2000x128xf32>, vector<128x128xf32>, vector<2000x128xf32> -> vector<2000x128xf32>
    %get3A_9 = arith.constant 0 : index
    %get3A_10 = arith.constant 0 : index
    %get3A_11 = vector.load %arg4[%get3A_9, %get3A_10] : memref<1x128xf32, #tpu.memory_space<vmem>>, vector<1x128xf32>
    %add3A_12 = vector.broadcast %get3A_11 : vector<1x128xf32> to vector<2000x128xf32>
    %add3A_13 = arith.addf %dot_general3A_8, %add3A_12 : vector<2000x128xf32>
    %mul3A = arith.constant 1.010000e+00 : f32
    %mul3A_14 = vector.broadcast %mul3A : f32 to vector<2000x128xf32>
    %mul3A_15 = arith.mulf %mul3A_14, %add3A_13 : vector<2000x128xf32>
    %mul3A_16 = arith.constant 9.900000e-01 : f32
    %mul3A_17 = vector.broadcast %mul3A_16 : f32 to vector<2000x128xf32>
    %mul3A_18 = arith.mulf %mul3A_17, %add3A_13 : vector<2000x128xf32>
    %mul3A_19 = arith.constant 2.475000e+00 : f32
    %mul3A_20 = vector.broadcast %mul3A_19 : f32 to vector<2000x128xf32>
    %mul3A_21 = arith.mulf %mul3A_20, %add3A_13 : vector<2000x128xf32>
    %erf3A = math.erf %mul3A_21 : vector<2000x128xf32>
    %mul3A_22 = arith.mulf %mul3A_18, %erf3A : vector<2000x128xf32>
    %add3A_23 = arith.addf %mul3A_15, %mul3A_22 : vector<2000x128xf32>
    %div3A = arith.constant 2.000000e+00 : f32
    %div3A_24 = vector.broadcast %div3A : f32 to vector<2000x128xf32>
    %div3A_25 = arith.divf %add3A_23, %div3A_24 : vector<2000x128xf32>
    %get3A_26 = arith.constant 0 : index
    %get3A_27 = arith.constant 0 : index
    %get3A_28 = vector.load %arg5[%get3A_26, %get3A_27] : memref<128x128xf32, #tpu.memory_space<vmem>>, vector<128x128xf32>
    %dot_general3A_29 = arith.constant dense<0.000000e+00> : vector<2000x128xf32>
    %dot_general3A_30 = tpu.matmul %div3A_25, %get3A_28, %dot_general3A_29 {dimension_numbers = #tpu.dot_dimension_numbers<[1], [0], [0], [1], [0, 0, 1, 1], [], []>, transpose_lhs_hint = false} : vector<2000x128xf32>, vector<128x128xf32>, vector<2000x128xf32> -> vector<2000x128xf32>
    %get3A_31 = arith.constant 0 : index
    %get3A_32 = arith.constant 0 : index
    %get3A_33 = vector.load %arg6[%get3A_31, %get3A_32] : memref<1x128xf32, #tpu.memory_space<vmem>>, vector<1x128xf32>
    %add3A_34 = vector.broadcast %get3A_33 : vector<1x128xf32> to vector<2000x128xf32>
    %add3A_35 = arith.addf %dot_general3A_30, %add3A_34 : vector<2000x128xf32>
    %swap3A = arith.constant 0 : index
    %swap3A_36 = arith.constant 0 : index
    %swap3A_37 = vector.load %arg7[%swap3A, %swap3A_36] : memref<2000x128xf32, #tpu.memory_space<vmem>>, vector<2000x128xf32>
    tpu.vector_store %arg7[%swap3A, %swap3A_36], %add3A_35 {strides = array<i32>} : memref<2000x128xf32, #tpu.memory_space<vmem>>, vector<2000x128xf32>,
    return
  }
  func.func @transform_0(%arg0: i32) -> (i32, i32) {
    %c0_i32 = arith.constant 0 : i32
    %c0_i32_0 = arith.constant 0 : i32
    return %arg0, %c0_i32 : i32, i32
  }
  func.func @transform_1(%arg0: i32) -> (i32, i32) {
    %c0_i32 = arith.constant 0 : i32
    %c0_i32_0 = arith.constant 0 : i32
    return %arg0, %c0_i32 : i32, i32
  }
  func.func @transform_2(%arg0: i32) -> (i32, i32) {
    %c0_i32 = arith.constant 0 : i32
    %c0_i32_0 = arith.constant 0 : i32
    %c0_i32_1 = arith.constant 0 : i32
    return %c0_i32, %c0_i32_0 : i32, i32
  }
  func.func @transform_3(%arg0: i32) -> (i32, i32) {
    %c0_i32 = arith.constant 0 : i32
    %c0_i32_0 = arith.constant 0 : i32
    %c0_i32_1 = arith.constant 0 : i32
    return %c0_i32, %c0_i32_0 : i32, i32
  }
  func.func @transform_4(%arg0: i32) -> (i32, i32) {
    %c0_i32 = arith.constant 0 : i32
    %c0_i32_0 = arith.constant 0 : i32
    %c0_i32_1 = arith.constant 0 : i32
    return %c0_i32, %c0_i32_0 : i32, i32
  }
  func.func @transform_5(%arg0: i32) -> (i32, i32) {
    %c0_i32 = arith.constant 0 : i32
    %c0_i32_0 = arith.constant 0 : i32
    %c0_i32_1 = arith.constant 0 : i32
    return %c0_i32, %c0_i32_0 : i32, i32
  }
  func.func @transform_6(%arg0: i32) -> (i32, i32) {
    %c0_i32 = arith.constant 0 : i32
    %c0_i32_0 = arith.constant 0 : i32
    return %arg0, %c0_i32 : i32, i32
  }
}

</mosaic_0001>

<sc_bundles>
// kernel: kernel.6.cloned.1.call-start
scs
__scs_entry_jumppad:
0x0: {  	(pc) =	sbr.rel $0x88, $3  }
0x1: {  	(tag) =	ssettag $0x0;
	lr =	simm.s32 $0x1  }
0x2: {  	[smem:$0x3F93] =	sst lr;
	_ =	strace $0xD0000000  }
0x3: {  	_ = 	snop  }
0x4: {  	_ = 	snop  }
0x5: {  	_ = 	snop  }
0x6: {  	_ = 	snop  }
0x7: {  	_ = 	snop  }
__scs_overlays_trampoline_lowered:
0x8: {  	[smem:$0x3FA2] =	sst s0  }
0x9: {  	[smem:$0x3FA3] =	sst s1  }
0xa: {  	[smem:$0x3FA4] =	sst s2  }
0xb: {  	[smem:$0x3FA5] =	sst s3  }
0xc: {  	[smem:$0x3FA6] =	sst s4  }
0xd: {  	[smem:$0x3FA7] =	sst s5  }
0xe: {  	[smem:$0x3FA8] =	sst s6  }
0xf: {  	[smem:$0x3FA9] =	sst s7  }
0x10: {  	[smem:$0x3FAA] =	sst s8  }
0x11: {  	[smem:$0x3FAB] =	sst s9;
	s0 =	simm.s32 @!p0 $0x0  }
0x12: {  	s1 =	sld [smem:$0x3F91];
	s0 =	simm.s32 @p0 $0x1  }
0x13: {  	[smem:$0x3FAC] =	sst s0;
	s0 =	simm.s32 @!p1 $0x0  }
0x14: {  	s2 =	sld [smem:$0x3F90];
	s0 =	simm.s32 @p1 $0x1  }
0x15: {  	[smem:$0x3FAD] =	sst s0;
	s0 =	simm.s32 @!p2 $0x0  }
0x16: {  	s3 =	sld [smem:$0x3FDB];
	s0 =	simm.s32 @p2 $0x1  }
0x17: {  	s4 =	simm.s32 $0x1BF5;
	[smem:$0x3FAF] =	sst s0  }
0x18: {  	s0 =	sld [smem:$0x3F92];
	_ =	swait.ge [sflag:s4], $0x0  }
0x19: {  	s7 =	sld [smem:$0x3F93]  }
0x1a: {  	s8 =	sadd.s32 $0xFFFFE003, lr  }
0x1b: {  	s9 =	sadd.s32 $0xFFFFFEF7, lr;
	s5 =	simm.s32 $0xFFFFFFFF;
	p2 =	slt.u32 s8, $0xFFFFF086  }
0x1c: {  	p1 =	slt.u32 s9, $0xF7A;
	s5 =	simm.s32 @!p2 $0x0  }
0x1d: {  	s5 =	simm.s32 @p1 $0x1;
	p0 =	seq.s32 s7, s2  }
0x1e: {  	s7 =	smul.u32 @!p0 $0xF7A, s2;
	p2 =	seq.s32 @!p0 s5, $0x0  }
0x1f: {  	s9 =	smul.u32 $0xF7A, s1;
	s8 =	simm.s32 @!p0 $0x1BF5;
	p2 =	por !p2, p0  }
0x20: {  	[sflag:s8] =	ssyncset.s32 @!p0 $0xFFFFF086;
	s6 =	sadd.s32 @!p0 s3, s7;
	s7 =	simm.s32 @!p0 $0x108  }
0x21: {  	s3 =	sadd.s32 s3, s9;
	s6 =	sadd.s32 @!p0 $0x88, s6;
	s7 =	simm.s32 @p2 $0x1082  }
0x22: {  	[simem:s7], [sflag:s8] =	dma.local @!p0 [hbm:s6], $0xF7A  }
0x23: {  	s9 =	sor.u32 $0xD0000000, s2;
	s6 =	simm.s32 $0x108;
	_ =	swait.ge @!p0 [sflag:s8], $0x0  }
0x24: {  	s3 =	sadd.s32 $0x88, s3;
	s6 =	simm.s32 @!p1 $0x1082;
	[sflag:s4] =	ssyncset.s32 $0xFFFFF086  }
0x25: {  	[simem:s6], [sflag:s4] =	dma.local [hbm:s3], $0xF7A  }
0x26: {  	[smem:$0x3F93] =	sst s1;
	(tag) =	ssettag s2;
	_ =	strace s9  }
0x27: {  	s1 =	sld [smem:$0x3FA3]  }
0x28: {  	s2 =	sld [smem:$0x3FA4]  }
0x29: {  	s4 =	sld [smem:$0x3FA6]  }
0x2a: {  	p0 =	seq.s32 s5, $0x0;
	s5 =	sld [smem:$0x3FA7]  }
0x2b: {  	s6 =	sld [smem:$0x3FA8]  }
0x2c: {  	s7 =	sld [smem:$0x3FA9]  }
0x2d: {  	s3 =	simm.s32 $0x108;
	s8 =	sld [smem:$0x3FAA]  }
0x2e: {  	s3 =	simm.s32 @!p0 $0x1082;
	s9 =	sld [smem:$0x3FAB]  }
0x2f: {  	lr =	sadd.s32 s0, s3;
	s0 =	sld [smem:$0x3FA2]  }
0x30: {  	s3 =	sld [smem:$0x3FA5]  }
0x31: {  	[smem:$0x3FAE] =	sst s10  }
0x32: {  	s10 =	sld [smem:$0x3FAC];
	_ =	sdelay $0x3  }
0x33: {  	p0 =	seq.s32 s10, $0x1;
	s10 =	sld [smem:$0x3FAE];
	_ =	sdelay $0x3  }
0x34: {  	[smem:$0x3FAE] =	sst s10  }
0x35: {  	s10 =	sld [smem:$0x3FAD];
	_ =	sdelay $0x3  }
0x36: {  	p1 =	seq.s32 s10, $0x1;
	s10 =	sld [smem:$0x3FAE];
	_ =	sdelay $0x3  }
0x37: {  	[smem:$0x3FAE] =	sst s10  }
0x38: {  	s10 =	sld [smem:$0x3FAF]  }
0x39: {  	_ = 	snop;
	(pc) =	sbr.ind lr, $3  }
0x3a: {  	_ = 	snop  }
0x3b: {  	_ = 	snop  }
0x3c: {  	p2 =	seq.s32 s10, $0x1;
	s10 =	sld [smem:$0x3FAE]  }
0x3d: {  	_ =	shalt  }
0x3e: {  	_ =	shalt  }
0x3f: {  	_ =	shalt  }
0x40: {  	_ =	shalt  }
0x41: {  	_ =	shalt  }
0x42: {  	_ =	shalt  }
0x43: {  	_ =	shalt  }
0x44: {  	_ =	shalt  }
0x45: {  	_ =	shalt  }
0x46: {  	_ =	shalt  }
0x47: {  	_ =	shalt  }
0x48: {  	_ =	shalt  }
0x49: {  	_ =	shalt  }
0x4a: {  	_ =	shalt  }
0x4b: {  	_ =	shalt  }
0x4c: {  	_ =	shalt  }
0x4d: {  	_ =	shalt  }
0x4e: {  	_ =	shalt  }
0x4f: {  	_ =	shalt  }
0x50: {  	_ =	shalt  }
0x51: {  	_ =	shalt  }
0x52: {  	_ =	shalt  }
0x53: {  	_ =	shalt  }
0x54: {  	_ =	shalt  }
0x55: {  	_ =	shalt  }
0x56: {  	_ =	shalt  }
0x57: {  	_ =	shalt  }
0x58: {  	_ =	shalt  }
0x59: {  	_ =	shalt  }
0x5a: {  	_ =	shalt  }
0x5b: {  	_ =	shalt  }
0x5c: {  	_ =	shalt  }
0x5d: {  	_ =	shalt  }
0x5e: {  	_ =	shalt  }
0x5f: {  	_ =	shalt  }
0x60: {  	_ =	shalt  }
0x61: {  	_ =	shalt  }
0x62: {  	_ =	shalt  }
0x63: {  	_ =	shalt  }
0x64: {  	_ =	shalt  }
0x65: {  	_ =	shalt  }
0x66: {  	_ =	shalt  }
0x67: {  	_ =	shalt  }
0x68: {  	_ =	shalt  }
0x69: {  	_ =	shalt  }
0x6a: {  	_ =	shalt  }
0x6b: {  	_ =	shalt  }
0x6c: {  	_ =	shalt  }
0x6d: {  	_ =	shalt  }
0x6e: {  	_ =	shalt  }
0x6f: {  	_ =	shalt  }
0x70: {  	_ =	shalt  }
0x71: {  	_ =	shalt  }
0x72: {  	_ =	shalt  }
0x73: {  	_ =	shalt  }
0x74: {  	_ =	shalt  }
0x75: {  	_ =	shalt  }
0x76: {  	_ =	shalt  }
0x77: {  	_ =	shalt  }
0x78: {  	_ =	shalt  }
0x79: {  	_ =	shalt  }
0x7a: {  	_ =	shalt  }
0x7b: {  	_ =	shalt  }
0x7c: {  	_ =	shalt  }
0x7d: {  	_ =	shalt  }
0x7e: {  	_ =	shalt  }
0x7f: {  	_ =	shalt  }
0x80: {  	_ =	shalt  }
0x81: {  	_ =	shalt  }
0x82: {  	_ =	shalt  }
0x83: {  	_ =	shalt  }
0x84: {  	_ =	shalt  }
0x85: {  	_ =	shalt  }
0x86: {  	_ =	shalt  }
0x87: {  	_ =	shalt  }
.Lfunc_end0:
.L_simem_size_0:
called_computation_lowered:
.L_overlay_start_0:
0x88: {  	s2 =	sld [smem:$0x3FD9]  }
0x89: {  	s3 =	sld [smem:$0x3FFE];
	_ =	sdelay $0x1  }
0x8a: {  	s1 =	srdreg.scid  }
0x8b: {  	s0 =	sand.u32 $0x1, s1  }
0x8c: {  	s17 =	sshll.u32 s0, $0xA;
	s2 =	sadd.s32 s3, s2  }
0x8d: {  	s2 =	sadd.s32 s2, s17  }
0x8e: {  	[smem:$0x3FBA] =	sst s2  }
0x8f: {  	_ = 	snop  }
0x90: {  	s2 =	sld [smem:$0x3FD0];
	(tm) =	ssettm $0x1  }
0x91: {  	s18 =	sld [smem:$0x3FFB];
	_ =	sdelay $0x3  }
0x92: {  	_ =	strace s18  }
0x93: {  	s3 =	sld [smem:$0x3FFC];
	_ =	sdelay $0x3  }
0x94: {  	_ =	strace s3  }
0x95: {  	s3 =	sld [smem:$0x3FFD];
	_ =	sdelay $0x3  }
0x96: {  	_ =	strace s3  }
0x97: {  	_ =	strace $0x8FFFFFFF  }
0x98: {  	s19 =	sld [smem:$0x3FDB];
	_ =	sdelay $0x1  }
0x99: {  	s4 =	simm.s32 $_scs_section_size  }
0x9a: {  	s5 =	simm.s32 $_size__tile_overlayer_lowered;
	s6 =	simm.s32 $_tile_overlayer_lowered  }
0x9b: {  	s22 =	simm.s32 $0x1BFF;
	s21 =	sshll.u32 s6, $0x1;
	s3 =	sadd.s32 s4, s19  }
0x9c: {  	s7 =	simm.s32 $0x0;
	s20 =	sshll.u32 s5, $0x1;
	s5 =	sadd.s32 s21, s3  }
0x9d: {  	[timem:s7], [sflag:s22] =	dma.local [hbm:s5], s20  }
0x9e: {  	_ =	swait.ge [sflag:s22], s20  }
0x9f: {  	s4 =	ssub.s32 $0x0, s20;
	[sflag:s22] =	ssyncset.done $0x0  }
0xa0: {  	[sflag:s22] =	ssyncadd.s32 s4;
	_ =	sdelay $0x1  }
0xa1: {  	s23 =	simm.s32 $0x1B8B  }
0xa2: {  	_ =	swait.ge [sflag:s23], $0x1  }
0xa3: {  	[sflag:s23] =	ssyncset.done $0x0  }
0xa4: {  	s25 =	simm.s32 $0x1B8E;
	s24 =	sld [smem:$0x3FFE];
	[sflag:s23] =	ssyncadd.s32 $0xFFFFFFFF  }
0xa5: {  	s26 =	simm.s32 $execute0_lowered;
	[smem:$0x3FD2] =	sst s25  }
0xa6: {  	s5 =	sshll.u32 s26, $0x1;
	_ =	strace $0x80000046;
	[dreg:$0x1] =	wrdreg $0xFFFFFFFF  }
0xa7: {  	s28 =	simm.s32 $_size_execute0_lowered;
	s3 =	sadd.s32 s3, s5;
	[dreg:$0x0] =	wrdreg $0x0  }
0xa8: {  	s5 =	sshll.u32 s28, $0x1;
	[dreg:$0x2] =	wrdreg s3  }
0xa9: {  	[dreg:$0x3] =	wrdreg s5  }
0xaa: {  	[dreg:$0x4] =	wrdreg $0xC0  }
0xab: {  	_ =	task [dreg:s7], $0x5FFFF  }
0xac: {  	[dreg:$0x1] =	wrdreg $0xFFFFFFFF  }
0xad: {  	[dreg:$0x0] =	wrdreg $0x60  }
0xae: {  	[dreg:$0x2] =	wrdreg s2  }
0xaf: {  	[dreg:$0x3] =	wrdreg s24  }
0xb0: {  	[dreg:$0x4] =	wrdreg $0x7C000  }
0xb1: {  	[dreg:$0x5] =	wrdreg $0x9  }
0xb2: {  	_ =	task.clear_ibuf [dreg:s7], $0x6FFFF;
	_ =	strace $0x90000046  }
0xb3: {  	s29 =	simm.s32 $0x9;
	_ =	strace $0x80000048  }
0xb4: {  	_ =	swait.ge [sflag:s29], $0x1  }
0xb5: {  	[sflag:s29] =	ssyncadd.s32 $0xFFFFFFFF  }
0xb6: {  	_ =	strace $0x90000048  }
0xb7: {  	_ =	sfence  }
0xb8: {  	s30 =	sld [smem:$0x0];
	_ =	sdelay $0x2  }
0xb9: {  	s31 =	sshll.u32 s1, $0xD;
	s1 =	sshrl.u32 s1, $0x2  }
0xba: {  	s3 =	sand.u32 $0x4000, s31;
	s1 =	sadd.s32 s1, s30  }
0xbb: {  	s0 =	sor.u32 s3, s0;
	s1 =	sshll.u32 s1, $0x11  }
0xbc: {  	s0 =	sor.u32 s1, s0  }
0xbd: {  	s0 =	sadd.s32 $0x8F2B, s0  }
0xbe: {  	[sflag:s0] =	ssyncadd.remote.s32 $0x1  }
0xbf: {  	_ =	sfence.sel $0xFFFF  }
0xc0: {  	[dreg:$0x0] =	wrdreg $0xFFFFFFFF;
	(pc) =	sbr.abs _section_cstart, $3  }
0xc1: {  	[dreg:$0x1] =	wrdreg $0xFFFFFFFF  }
0xc2: {  	_ =	task.clear_ibuf [dreg:s7], $0x2FFFF;
	_ =	strace $0x9FFFFFFF  }
0xc3: {  	(tm) =	ssettm $0x7FFFFFFF  }
tec
execute0_lowered:
.L_overlay_start_1:
0x0: {  	(tag) =	ssettag $0x1  }
0x1: {  	s2 =	rddreg [dreg:$0x0]  }
0x2: {  	s0 =	rddreg [dreg:$0x1]  }
0x3: {  	s3 =	rddreg [dreg:$0x2]  }
0x4: {  	s12 =	stileid.u32;
	s1 =	srdreg.scid;
	s16 =	simm.s32 $0x0  }
0x5: {  	s28 =	simm.s32 $0x5400;
	s29 =	simm.s32 $0x6800;
	s30 =	simm.s32 $0x1  }
0x6: {  	s31 =	simm.s32 $0x2;
	s13 =	simm.s32 $0x300;
	s14 =	simm.s32 $0x3  }
0x7: {  	s15 =	simm.s32 $0x6;
	s4 =	smul.u32 $0x14000, s12;
	[smem:$0x7FF] =	sst s16  }
0x8: {  	s1 =	sand.u32 $0x1, s1;
	s5 =	sadd.s32 $0x754600, s0;
	s6 =	sadd.s32 $0x272600, s0  }
0x9: {  	s17 =	sshll.u32 s12, $0x1;
	s10 =	smul.u32 $0x50000, s12;
	s21 =	sshll.u32 s12, $0x6  }
0xa: {  	s12 =	simm.s32 $0x200;
	s7 =	smul.u32 $0x140000, s1;
	_ =	strace $0x80000047  }
0xb: {  	s18 =	ssub.s32 $0x2, s1;
	s1 =	sor.u32 s1, s17;
	s17 =	simm.s32 $0x7  }
0xc: {  	s8 =	sshrl.u32 s4, $0x3;
	s19 =	sshrl.u32 s18, $0x1;
	s11 =	smul.u32 $0x9C400, s1  }
0xd: {  	s10 =	sshrl.u32 s10, $0x2;
	s4 =	sadd.s32 s4, s7;
	s7 =	smul.u32 $0xFA00, s1  }
0xe: {  	s9 =	sadd.s32 s8, s0;
	s8 =	smul.u32 $0x1388, s1;
	s20 =	sadd.s32 s10, s3  }
0xf: {  	s1 =	simm.s32 $0x4;
	s4 =	sshrl.u32 s4, $0x3;
	s9 =	sadd.s32 $0x1600, s9  }
0x10: {  	s11 =	sshrl.u32 s11, $0x3;
	s10 =	sshrl.u32 s20, $0x3;
	s20 =	simm.s32 $0x400  }
0x11: {  	s0 =	sadd.s32 s4, s0;
	s4 =	ssub.s32 s18, s19;
	[dreg:$0x5] =	wrdreg s9  }
0x12: {  	s22 =	sshrl.u32 s7, $0x3;
	s19 =	sor.u32 $0x1C07, s21;
	s24 =	sadd.s32 s5, s11  }
0x13: {  	s11 =	sadd.s32 $0x28, s8;
	s18 =	simm.s32 $0x28;
	[dreg:$0xb] =	wrdreg s10  }
0x14: {  	s21 =	simm.s32 $0x180;
	s25 =	sadd.s32 $0x13600, s24;
	[dreg:$0x6] =	wrdreg s19  }
0x15: {  	s23 =	sadd.s32 s6, s22;
	s0 =	sadd.s32 $0x29600, s0;
	[dreg:$0x8] =	wrdreg s25  }
0x16: {  	s26 =	smax.u32 s4, $0x1;
	s22 =	simm.s32 $0x1800;
	[dreg:$0x9] =	wrdreg s0  }
0x17: {  	s24 =	simm.s32 $0x280;
	s9 =	sadd.s32 $0x1EC0, s23;
	[dreg:$0xa] =	wrdreg s26  }
0x18: {  	s23 =	simm.s32 $0x2C00;
	s25 =	simm.s32 $0x4000;
	s26 =	simm.s32 $0x380  }
0x19: {  	s0 =	simm.s32 $0x100;
	[dreg:$0x7] =	wrdreg s9;
	s9 =	simm.s32 $0x5  }
.LBB2_1:
0x1a: {  	[dreg:$0x4] =	wrdreg s16  }
0x1b: {  	s4 =	rddreg [dreg:$0x5]  }
0x1c: {  	[spmem:s10], [sflag:s19] =	dma.local [hbm:s4], $0x2800  }
0x1d: {  	_ =	swait.ge [sflag:s17], $0x2800  }
0x1e: {  	[sflag:s17] =	ssyncset.done $0x0  }
0x1f: {  	[sflag:s17] =	ssyncadd.s32 $0xFFFFD800  }
0x20: {  	s10 =	simm.s32 $0x0;
	[bflag:$0x0] =	sbarrier.arrive $0xFFFF  }
.LBB2_2:
0x21: {  	s4 =	sshll.u32 s10, $0xA  }
0x22: {  	s4 =	sadd.s32 s7, s4  }
0x23: {  	s4 =	sshrl.u32 s4, $0x3  }
0x24: {  	s16 =	simm.s32 $0x0;
	s4 =	sadd.s32 s6, s4  }
0x25: {  	[tilespmem:s16], [sflag:$0x7] =	stream.linear.gather [hbm4b:s4+s16], $0x400, $0x38;
	[tilespmem:$0x1BC00] =	vst v63  }
0x26: {  	_ =	swait.ge [sflag:s17], $0x400  }
0x27: {  	[sflag:s17] =	ssyncset.done $0x0  }
0x28: {  	s19 =	simm.s32 $0x80;
	s4 =	smul.u32 $0x50, s10;
	[sflag:s17] =	ssyncadd.s32 $0xFFFFFC00  }
0x29: {  	[tilespmem:s20], [sflag:$0x1] =	stream.indirect.gather [hbm4b:s2+s18], $0x80, s19, s18, $0xb8;
	[tilespmem:$0x1BC00] =	vst v63  }
0x2a: {  	s19 =	sadd.s32 s8, s4  }
0x2b: {  	s19 =	sshll.u32 s19, $0x4  }
0x2c: {  	[tilespmem:s22], [sflag:$0x1] =	stream.indirect.gather [hbm4b:s2+s18], $0x80, s21, s18, $0xb8;
	[tilespmem:$0x1BC00] =	vst v63  }
0x2d: {  	s19 =	sadd.s32 s5, s19  }
0x2e: {  	[tilespmem:s23], [sflag:$0x2] =	stream.linear.gather [hbm4b:s19+s16], $0x1400, $0x38;
	[tilespmem:$0x1BC00] =	vst v63  }
0x2f: {  	s4 =	sadd.s32 s4, s11  }
0x30: {  	[tilespmem:s25], [sflag:$0x4] =	stream.indirect.gather [hbm4b:s2+s18], $0x80, s24, s18, $0xb8;
	[tilespmem:$0x1BC00] =	vst v63  }
0x31: {  	s4 =	sshll.u32 s4, $0x4  }
0x32: {  	[tilespmem:s28], [sflag:$0x4] =	stream.indirect.gather [hbm4b:s2+s18], $0x80, s26, s18, $0xb8;
	[tilespmem:$0x1BC00] =	vst v63  }
0x33: {  	s4 =	sadd.s32 s5, s4  }
0x34: {  	[tilespmem:s29], [sflag:$0x5] =	stream.linear.gather [hbm4b:s4+s16], $0x1400, $0x38;
	[tilespmem:$0x1BC00] =	vst v63  }
0x35: {  	_ =	swait.ge [sflag:s30], $0x1400  }
0x36: {  	[sflag:s30] =	ssyncset.done $0x0  }
0x37: {  	[sflag:s30] =	ssyncadd.s32 $0xFFFFEC00  }
0x38: {  	_ =	swait.ge [sflag:s30], $0x1400  }
0x39: {  	[sflag:s30] =	ssyncset.done $0x0  }
0x3a: {  	[sflag:s30] =	ssyncadd.s32 $0xFFFFEC00  }
0x3b: {  	_ =	swait.ge [sflag:s31], $0x1400  }
0x3c: {  	[sflag:s31] =	ssyncset.done $0x0  }
0x3d: {  	s16 =	simm.s32 $0x0;
	[sflag:s31] =	ssyncadd.s32 $0xFFFFEC00  }
0x3e: {  	v3 =	vld [tilespmem:s16+$0x2C00]  }
0x3f: {  	v4 =	vld [tilespmem:s16+$0x2C10]  }
0x40: {  	v5 =	vld [tilespmem:s16+$0x2C20]  }
0x41: {  	v7 =	vld [tilespmem:s16+$0x2C30]  }
0x42: {  	v8 =	vld [tilespmem:s16+$0x2C40]  }
0x43: {  	v2 =	vld [tilespmem:s16+$0x2C50]  }
0x44: {  	v6 =	vld [tilespmem:s16+$0x400]  }
0x45: {  	v9 =	vld [tilespmem:s16+$0x1800]  }
0x46: {  	v1 =	vld [tilespmem:s16+$0x2C60]  }
0x47: {  	v10 =	vld [tilespmem:s16+$0x410]  }
0x48: {  	v11 =	vld [tilespmem:s16+$0x1810];
	v12 =	vshll.u32 v3, $0x10  }
0x49: {  	v13 =	vld [tilespmem:s16+$0x420];
	v3 =	vand.u32 $0xFFFF0000, v3;
	v6 =	vmul.f32 v12, v6  }
0x4a: {  	v0 =	vld [tilespmem:s16+$0x2C70];
	v3 =	vmul.f32 v3, v9  }
0x4b: {  	v63 =	vld [tilespmem:s16+$0x1820];
	[tilespmem:s16+$0x400] =	vst v6;
	v6 =	vshll.u32 v4, $0x10  }
0x4c: {  	v14 =	vld [tilespmem:s16+$0x430];
	[tilespmem:s16+$0x1800] =	vst v3;
	v3 =	vand.u32 $0xFFFF0000, v4;
	v6 =	vmul.f32 v6, v10  }
0x4d: {  	v9 =	vld [tilespmem:s16+$0x1830];
	v4 =	vshll.u32 v5, $0x10;
	v3 =	vmul.f32 v3, v11  }
0x4e: {  	v15 =	vld [tilespmem:s16+$0x440];
	v10 =	vmul.f32 v4, v13;
	[tilespmem:s16+$0x410] =	vst v6  }
0x4f: {  	v6 =	vld [tilespmem:s16+$0x1840];
	[tilespmem:s16+$0x1810] =	vst v3;
	v3 =	vand.u32 $0xFFFF0000, v5  }
0x50: {  	v4 =	vld [tilespmem:s16+$0x450];
	[tilespmem:s16+$0x420] =	vst v10;
	v10 =	vshll.u32 v7, $0x10;
	v3 =	vmul.f32 v3, v63  }
0x51: {  	v5 =	vld [tilespmem:s16+$0x1850];
	v7 =	vand.u32 $0xFFFF0000, v7;
	v10 =	vmul.f32 v10, v14  }
0x52: {  	v11 =	vshll.u32 v8, $0x10;
	v9 =	vmul.f32 v7, v9;
	[tilespmem:s16+$0x1820] =	vst v3;
	v3 =	vld [tilespmem:s16+$0x460]  }
0x53: {  	s4 =	simm.s32 $0x200;
	v7 =	vld [tilespmem:s16+$0x1860];
	[tilespmem:s16+$0x430] =	vst v10;
	v10 =	vand.u32 $0xFFFF0000, v8;
	v8 =	vmul.f32 v11, v15  }
.LBB2_3:
0x54: {  	p0 =	sne.s32 s4, $0x4E00;
	[tilespmem:s16+$0x1830] =	vst v9;
	v6 =	vmul.f32 v10, v6;
	v9 =	vshll.u32 v2, $0x10;
	v10 =	vld [tilespmem:s16+$0x470]  }
0x55: {  	s19 =	sshra.s32 s4, $0x2;
	v2 =	vand.u32 $0xFFFF0000, v2;
	[tilespmem:s16+$0x440] =	vst v8;
	v4 =	vmul.f32 v9, v4;
	v8 =	vld [tilespmem:s16+$0x1870]  }
0x56: {  	v9 =	vld [tilespmem:s19+$0x2C00];
	[tilespmem:s16+$0x1840] =	vst v6;
	v2 =	vmul.f32 v2, v5;
	v5 =	vshll.u32 v1, $0x10  }
0x57: {  	v1 =	vand.u32 $0xFFFF0000, v1;
	v6 =	vld [tilespmem:s19+$0x2C10];
	[tilespmem:s16+$0x450] =	vst v4;
	v3 =	vmul.f32 v5, v3  }
0x58: {  	v4 =	vld [tilespmem:s19+$0x2C20];
	[tilespmem:s16+$0x1850] =	vst v2;
	v1 =	vmul.f32 v1, v7;
	v2 =	vshll.u32 v0, $0x10  }
0x59: {  	v0 =	vand.u32 $0xFFFF0000, v0;
	v5 =	vld [tilespmem:s19+$0x2C30];
	[tilespmem:s16+$0x460] =	vst v3;
	v3 =	vmul.f32 v2, v10  }
0x5a: {  	v7 =	vld [tilespmem:s19+$0x2C40];
	[tilespmem:s16+$0x1860] =	vst v1;
	v0 =	vmul.f32 v0, v8  }
0x5b: {  	v2 =	vld [tilespmem:s19+$0x2C50];
	[tilespmem:s16+$0x470] =	vst v3  }
0x5c: {  	v1 =	vld [tilespmem:s19+$0x2C60];
	[tilespmem:s16+$0x1870] =	vst v0;
	s16 =	smov.u32 s19  }
0x5d: {  	v0 =	vld [tilespmem:s16+$0x2C70]  }
0x5e: {  	v3 =	vld [tilespmem:s16+$0x400]  }
0x5f: {  	v8 =	vld [tilespmem:s16+$0x1800]  }
0x60: {  	v10 =	vld [tilespmem:s16+$0x410]  }
0x61: {  	v11 =	vld [tilespmem:s16+$0x1810]  }
0x62: {  	v12 =	vshll.u32 v9, $0x10;
	v13 =	vld [tilespmem:s16+$0x420]  }
0x63: {  	v9 =	vand.u32 $0xFFFF0000, v9;
	v3 =	vmul.f32 v12, v3;
	v12 =	vld [tilespmem:s16+$0x1820]  }
0x64: {  	v8 =	vmul.f32 v9, v8;
	v9 =	vshll.u32 v6, $0x10;
	v14 =	vld [tilespmem:s16+$0x430]  }
0x65: {  	[tilespmem:s16+$0x400] =	vst v3;
	v3 =	vand.u32 $0xFFFF0000, v6;
	v6 =	vmul.f32 v9, v10;
	v9 =	vld [tilespmem:s16+$0x1830]  }
0x66: {  	[tilespmem:s16+$0x1800] =	vst v8;
	v3 =	vmul.f32 v3, v11;
	v8 =	vshll.u32 v4, $0x10;
	v11 =	vld [tilespmem:s16+$0x440]  }
.Ltmp0:
0x67: {  	v4 =	vand.u32 $0xFFFF0000, v4;
	[tilespmem:s16+$0x410] =	vst v6;
	v8 =	vmul.f32 v8, v13;
	v6 =	vld [tilespmem:s16+$0x1840];
	(pc) =	sbr.rel @p0 .LBB2_3-.Ltmp0, $4  }
0x68: {  	v10 =	vshll.u32 v5, $0x10;
	[tilespmem:s16+$0x1810] =	vst v3;
	v3 =	vmul.f32 v4, v12;
	v4 =	vld [tilespmem:s16+$0x450]  }
0x69: {  	[tilespmem:s16+$0x420] =	vst v8;
	v8 =	vand.u32 $0xFFFF0000, v5;
	v10 =	vmul.f32 v10, v14;
	v5 =	vld [tilespmem:s16+$0x1850]  }
0x6a: {  	[tilespmem:s16+$0x1820] =	vst v3;
	v9 =	vmul.f32 v8, v9;
	v8 =	vshll.u32 v7, $0x10;
	v3 =	vld [tilespmem:s16+$0x460]  }
0x6b: {  	s4 =	sadd.s32 $0x200, s4;
	[tilespmem:s16+$0x430] =	vst v10;
	v10 =	vand.u32 $0xFFFF0000, v7;
	v8 =	vmul.f32 v8, v11;
	v7 =	vld [tilespmem:s16+$0x1860]  }
0x6c: {  	[tilespmem:s16+$0x1830] =	vst v9;
	v9 =	vld [tilespmem:s16+$0x470];
	v6 =	vmul.f32 v10, v6;
	v10 =	vshll.u32 v2, $0x10  }
0x6d: {  	v2 =	vand.u32 $0xFFFF0000, v2;
	[tilespmem:s16+$0x440] =	vst v8;
	v4 =	vmul.f32 v10, v4;
	v8 =	vld [tilespmem:s16+$0x1870]  }
0x6e: {  	[tilespmem:s16+$0x1840] =	vst v6;
	v2 =	vmul.f32 v2, v5;
	v5 =	vshll.u32 v1, $0x10  }
0x6f: {  	v1 =	vand.u32 $0xFFFF0000, v1;
	[tilespmem:s16+$0x450] =	vst v4;
	v3 =	vmul.f32 v5, v3  }
0x70: {  	[tilespmem:s16+$0x1850] =	vst v2;
	v1 =	vmul.f32 v1, v7;
	v2 =	vshll.u32 v0, $0x10  }
0x71: {  	v0 =	vand.u32 $0xFFFF0000, v0;
	[tilespmem:s16+$0x460] =	vst v3;
	v2 =	vmul.f32 v2, v9  }
0x72: {  	[tilespmem:s16+$0x1860] =	vst v1;
	v0 =	vmul.f32 v0, v8  }
0x73: {  	[tilespmem:s16+$0x470] =	vst v2  }
0x74: {  	s4 =	simm.s32 $0x0;
	[tilespmem:s16+$0x1870] =	vst v0  }
0x75: {  	[spmem:s3] =	stream.indirect.scatter.add.f32 [tilespmem:s20], [sflag:$0x3], $0x80, s4, s18, $0xb8;
	[tilespmem:$0x1BC00] =	vst v63  }
0x76: {  	_ = 	snop  }
0x77: {  	[spmem:s3] =	stream.indirect.scatter.add.f32 [tilespmem:s22], [sflag:$0x3], $0x80, s0, s18, $0xb8;
	[tilespmem:$0x1BC00] =	vst v63  }
0x78: {  	_ =	swait.ge [sflag:s1], $0x1400  }
0x79: {  	[sflag:s1] =	ssyncset.done $0x0  }
0x7a: {  	[sflag:s1] =	ssyncadd.s32 $0xFFFFEC00  }
0x7b: {  	_ =	swait.ge [sflag:s1], $0x1400  }
0x7c: {  	[sflag:s1] =	ssyncset.done $0x0  }
0x7d: {  	[sflag:s1] =	ssyncadd.s32 $0xFFFFEC00  }
0x7e: {  	_ =	swait.ge [sflag:s9], $0x1400  }
0x7f: {  	[sflag:s9] =	ssyncset.done $0x0  }
0x80: {  	s16 =	simm.s32 $0x0;
	[sflag:s9] =	ssyncadd.s32 $0xFFFFEC00  }
0x81: {  	v3 =	vld [tilespmem:s16+$0x6800]  }
0x82: {  	v4 =	vld [tilespmem:s16+$0x6810]  }
0x83: {  	v5 =	vld [tilespmem:s16+$0x6820]  }
0x84: {  	v7 =	vld [tilespmem:s16+$0x6830]  }
0x85: {  	v8 =	vld [tilespmem:s16+$0x6840]  }
0x86: {  	v2 =	vld [tilespmem:s16+$0x6850]  }
0x87: {  	v6 =	vld [tilespmem:s16+$0x4000]  }
0x88: {  	v9 =	vld [tilespmem:s16+$0x5400]  }
0x89: {  	v1 =	vld [tilespmem:s16+$0x6860]  }
0x8a: {  	v10 =	vld [tilespmem:s16+$0x4010]  }
0x8b: {  	v11 =	vld [tilespmem:s16+$0x5410];
	v12 =	vshll.u32 v3, $0x10  }
0x8c: {  	v13 =	vld [tilespmem:s16+$0x4020];
	v3 =	vand.u32 $0xFFFF0000, v3;
	v6 =	vmul.f32 v12, v6  }
0x8d: {  	v0 =	vld [tilespmem:s16+$0x6870];
	v3 =	vmul.f32 v3, v9  }
0x8e: {  	v63 =	vld [tilespmem:s16+$0x5420];
	[tilespmem:s16+$0x4000] =	vst v6;
	v6 =	vshll.u32 v4, $0x10  }
0x8f: {  	v14 =	vld [tilespmem:s16+$0x4030];
	[tilespmem:s16+$0x5400] =	vst v3;
	v3 =	vand.u32 $0xFFFF0000, v4;
	v6 =	vmul.f32 v6, v10  }
0x90: {  	v9 =	vld [tilespmem:s16+$0x5430];
	v4 =	vshll.u32 v5, $0x10;
	v3 =	vmul.f32 v3, v11  }
0x91: {  	v15 =	vld [tilespmem:s16+$0x4040];
	v10 =	vmul.f32 v4, v13;
	[tilespmem:s16+$0x4010] =	vst v6  }
0x92: {  	v6 =	vld [tilespmem:s16+$0x5440];
	[tilespmem:s16+$0x5410] =	vst v3;
	v3 =	vand.u32 $0xFFFF0000, v5  }
0x93: {  	v4 =	vld [tilespmem:s16+$0x4050];
	[tilespmem:s16+$0x4020] =	vst v10;
	v10 =	vshll.u32 v7, $0x10;
	v3 =	vmul.f32 v3, v63  }
0x94: {  	v5 =	vld [tilespmem:s16+$0x5450];
	v7 =	vand.u32 $0xFFFF0000, v7;
	v10 =	vmul.f32 v10, v14  }
0x95: {  	v11 =	vshll.u32 v8, $0x10;
	v9 =	vmul.f32 v7, v9;
	[tilespmem:s16+$0x5420] =	vst v3;
	v3 =	vld [tilespmem:s16+$0x4060]  }
0x96: {  	s4 =	simm.s32 $0x200;
	v7 =	vld [tilespmem:s16+$0x5460];
	[tilespmem:s16+$0x4030] =	vst v10;
	v10 =	vand.u32 $0xFFFF0000, v8;
	v8 =	vmul.f32 v11, v15  }
.LBB2_5:
0x97: {  	p0 =	sne.s32 s4, $0x4E00;
	[tilespmem:s16+$0x5430] =	vst v9;
	v6 =	vmul.f32 v10, v6;
	v9 =	vshll.u32 v2, $0x10;
	v10 =	vld [tilespmem:s16+$0x4070]  }
0x98: {  	s19 =	sshra.s32 s4, $0x2;
	v2 =	vand.u32 $0xFFFF0000, v2;
	[tilespmem:s16+$0x4040] =	vst v8;
	v4 =	vmul.f32 v9, v4;
	v8 =	vld [tilespmem:s16+$0x5470]  }
0x99: {  	v9 =	vld [tilespmem:s19+$0x6800];
	[tilespmem:s16+$0x5440] =	vst v6;
	v2 =	vmul.f32 v2, v5;
	v5 =	vshll.u32 v1, $0x10  }
0x9a: {  	v1 =	vand.u32 $0xFFFF0000, v1;
	v6 =	vld [tilespmem:s19+$0x6810];
	[tilespmem:s16+$0x4050] =	vst v4;
	v3 =	vmul.f32 v5, v3  }
0x9b: {  	v4 =	vld [tilespmem:s19+$0x6820];
	[tilespmem:s16+$0x5450] =	vst v2;
	v1 =	vmul.f32 v1, v7;
	v2 =	vshll.u32 v0, $0x10  }
0x9c: {  	v0 =	vand.u32 $0xFFFF0000, v0;
	v5 =	vld [tilespmem:s19+$0x6830];
	[tilespmem:s16+$0x4060] =	vst v3;
	v3 =	vmul.f32 v2, v10  }
0x9d: {  	v7 =	vld [tilespmem:s19+$0x6840];
	[tilespmem:s16+$0x5460] =	vst v1;
	v0 =	vmul.f32 v0, v8  }
0x9e: {  	v2 =	vld [tilespmem:s19+$0x6850];
	[tilespmem:s16+$0x4070] =	vst v3  }
0x9f: {  	v1 =	vld [tilespmem:s19+$0x6860];
	[tilespmem:s16+$0x5470] =	vst v0;
	s16 =	smov.u32 s19  }
0xa0: {  	v0 =	vld [tilespmem:s16+$0x6870]  }
0xa1: {  	v3 =	vld [tilespmem:s16+$0x4000]  }
0xa2: {  	v8 =	vld [tilespmem:s16+$0x5400]  }
0xa3: {  	v10 =	vld [tilespmem:s16+$0x4010]  }
0xa4: {  	v11 =	vld [tilespmem:s16+$0x5410]  }
0xa5: {  	v12 =	vshll.u32 v9, $0x10;
	v13 =	vld [tilespmem:s16+$0x4020]  }
0xa6: {  	v9 =	vand.u32 $0xFFFF0000, v9;
	v3 =	vmul.f32 v12, v3;
	v12 =	vld [tilespmem:s16+$0x5420]  }
0xa7: {  	v8 =	vmul.f32 v9, v8;
	v9 =	vshll.u32 v6, $0x10;
	v14 =	vld [tilespmem:s16+$0x4030]  }
0xa8: {  	[tilespmem:s16+$0x4000] =	vst v3;
	v3 =	vand.u32 $0xFFFF0000, v6;
	v6 =	vmul.f32 v9, v10;
	v9 =	vld [tilespmem:s16+$0x5430]  }
0xa9: {  	[tilespmem:s16+$0x5400] =	vst v8;
	v3 =	vmul.f32 v3, v11;
	v8 =	vshll.u32 v4, $0x10;
	v11 =	vld [tilespmem:s16+$0x4040]  }
.Ltmp1:
0xaa: {  	v4 =	vand.u32 $0xFFFF0000, v4;
	[tilespmem:s16+$0x4010] =	vst v6;
	v8 =	vmul.f32 v8, v13;
	v6 =	vld [tilespmem:s16+$0x5440];
	(pc) =	sbr.rel @p0 .LBB2_5-.Ltmp1, $4  }
0xab: {  	v10 =	vshll.u32 v5, $0x10;
	[tilespmem:s16+$0x5410] =	vst v3;
	v3 =	vmul.f32 v4, v12;
	v4 =	vld [tilespmem:s16+$0x4050]  }
0xac: {  	[tilespmem:s16+$0x4020] =	vst v8;
	v8 =	vand.u32 $0xFFFF0000, v5;
	v10 =	vmul.f32 v10, v14;
	v5 =	vld [tilespmem:s16+$0x5450]  }
0xad: {  	[tilespmem:s16+$0x5420] =	vst v3;
	v9 =	vmul.f32 v8, v9;
	v8 =	vshll.u32 v7, $0x10;
	v3 =	vld [tilespmem:s16+$0x4060]  }
0xae: {  	s4 =	sadd.s32 $0x200, s4;
	[tilespmem:s16+$0x4030] =	vst v10;
	v10 =	vand.u32 $0xFFFF0000, v7;
	v8 =	vmul.f32 v8, v11;
	v7 =	vld [tilespmem:s16+$0x5460]  }
0xaf: {  	[tilespmem:s16+$0x5430] =	vst v9;
	v56 =	vld [tilespmem:s16+$0x4070];
	v6 =	vmul.f32 v10, v6;
	v57 =	vshll.u32 v2, $0x10  }
0xb0: {  	v58 =	vand.u32 $0xFFFF0000, v2;
	v59 =	vld [tilespmem:s16+$0x5470];
	[tilespmem:s16+$0x4040] =	vst v8;
	v4 =	vmul.f32 v57, v4  }
0xb1: {  	v60 =	vshll.u32 v1, $0x10;
	[tilespmem:s16+$0x5440] =	vst v6;
	v2 =	vmul.f32 v58, v5  }
0xb2: {  	v61 =	vand.u32 $0xFFFF0000, v1;
	[tilespmem:s16+$0x4050] =	vst v4;
	v3 =	vmul.f32 v60, v3  }
0xb3: {  	v62 =	vshll.u32 v0, $0x10;
	[tilespmem:s16+$0x5450] =	vst v2;
	v1 =	vmul.f32 v61, v7  }
0xb4: {  	v63 =	vand.u32 $0xFFFF0000, v0;
	[tilespmem:s16+$0x4060] =	vst v3;
	v2 =	vmul.f32 v62, v56  }
0xb5: {  	v0 =	vmul.f32 v63, v59;
	[tilespmem:s16+$0x5460] =	vst v1  }
0xb6: {  	[tilespmem:s16+$0x4070] =	vst v2  }
0xb7: {  	[tilespmem:s16+$0x5470] =	vst v0  }
0xb8: {  	[spmem:s3] =	stream.indirect.scatter.add.f32 [tilespmem:s25], [sflag:$0x6], $0x80, s12, s18, $0xb8;
	[tilespmem:$0x1BC00] =	vst v63  }
0xb9: {  	_ = 	snop  }
0xba: {  	[spmem:s3] =	stream.indirect.scatter.add.f32 [tilespmem:s28], [sflag:$0x6], $0x80, s13, s18, $0xb8;
	[tilespmem:$0x1BC00] =	vst v63  }
0xbb: {  	_ =	swait.ge [sflag:s14], $0x1400  }
0xbc: {  	[sflag:s14] =	ssyncset.done $0x0  }
0xbd: {  	[sflag:s14] =	ssyncadd.s32 $0xFFFFEC00  }
0xbe: {  	_ =	swait.ge [sflag:s14], $0x1400  }
0xbf: {  	[sflag:s14] =	ssyncset.done $0x0  }
0xc0: {  	s10 =	sadd.s32 $0x1, s10;
	[sflag:s14] =	ssyncadd.s32 $0xFFFFEC00  }
0xc1: {  	p0 =	sne.s32 s10, $0x3E;
	_ =	swait.ge [sflag:s15], $0x1400  }
.Ltmp2:
0xc2: {  	[sflag:s15] =	ssyncset.done $0x0;
	(pc) =	sbr.rel @p0 .LBB2_2-.Ltmp2, $4  }
0xc3: {  	[sflag:s15] =	ssyncadd.s32 $0xFFFFEC00  }
0xc4: {  	_ =	swait.ge [sflag:s15], $0x1400  }
0xc5: {  	[sflag:s15] =	ssyncset.done $0x0  }
0xc6: {  	[sflag:s15] =	ssyncadd.s32 $0xFFFFEC00  }
0xc7: {  	s4 =	simm.s32 $0x0;
	s10 =	rddreg [dreg:$0x7]  }
0xc8: {  	[tilespmem:s4], [sflag:$0x7] =	stream.linear.gather [hbm4b:s10+s4], $0x400, $0x38;
	[tilespmem:$0x1BC00] =	vst v63  }
0xc9: {  	_ =	swait.ge [sflag:s17], $0x400  }
0xca: {  	[sflag:s17] =	ssyncset.done $0x0  }
0xcb: {  	[sflag:s17] =	ssyncadd.s32 $0xFFFFFC00  }
0xcc: {  	[tilespmem:s20], [sflag:$0x1] =	stream.indirect.gather [hbm4b:s2+s18], $0x80, s24, s18, $0xb8;
	[tilespmem:$0x1BC00] =	vst v63  }
0xcd: {  	_ = 	snop  }
0xce: {  	[tilespmem:s22], [sflag:$0x1] =	stream.indirect.gather [hbm4b:s2+s18], $0x80, s26, s18, $0xb8;
	[tilespmem:$0x1BC00] =	vst v63  }
0xcf: {  	s19 =	rddreg [dreg:$0x8]  }
0xd0: {  	[tilespmem:s23], [sflag:$0x2] =	stream.linear.gather [hbm4b:s19+s4], $0x1400, $0x38;
	[tilespmem:$0x1BC00] =	vst v63  }
0xd1: {  	_ =	swait.ge [sflag:s30], $0x1400  }
0xd2: {  	[sflag:s30] =	ssyncset.done $0x0  }
0xd3: {  	[sflag:s30] =	ssyncadd.s32 $0xFFFFEC00  }
0xd4: {  	_ =	swait.ge [sflag:s30], $0x1400  }
0xd5: {  	[sflag:s30] =	ssyncset.done $0x0  }
0xd6: {  	[sflag:s30] =	ssyncadd.s32 $0xFFFFEC00  }
0xd7: {  	_ =	swait.ge [sflag:s31], $0x1400  }
0xd8: {  	[sflag:s31] =	ssyncset.done $0x0  }
0xd9: {  	s10 =	simm.s32 $0x0;
	[sflag:s31] =	ssyncadd.s32 $0xFFFFEC00  }
0xda: {  	v3 =	vld [tilespmem:s10+$0x2C00]  }
0xdb: {  	v4 =	vld [tilespmem:s10+$0x2C10]  }
0xdc: {  	v5 =	vld [tilespmem:s10+$0x2C20]  }
0xdd: {  	v7 =	vld [tilespmem:s10+$0x2C30]  }
0xde: {  	v8 =	vld [tilespmem:s10+$0x2C40]  }
0xdf: {  	v2 =	vld [tilespmem:s10+$0x2C50]  }
0xe0: {  	v6 =	vld [tilespmem:s10+$0x400]  }
0xe1: {  	v9 =	vld [tilespmem:s10+$0x1800]  }
0xe2: {  	v1 =	vld [tilespmem:s10+$0x2C60]  }
0xe3: {  	v10 =	vld [tilespmem:s10+$0x410]  }
0xe4: {  	v11 =	vld [tilespmem:s10+$0x1810];
	v12 =	vshll.u32 v3, $0x10  }
0xe5: {  	v13 =	vld [tilespmem:s10+$0x420];
	v3 =	vand.u32 $0xFFFF0000, v3;
	v6 =	vmul.f32 v12, v6  }
0xe6: {  	v0 =	vld [tilespmem:s10+$0x2C70];
	v3 =	vmul.f32 v3, v9  }
0xe7: {  	v63 =	vld [tilespmem:s10+$0x1820];
	[tilespmem:s10+$0x400] =	vst v6;
	v6 =	vshll.u32 v4, $0x10  }
0xe8: {  	v14 =	vld [tilespmem:s10+$0x430];
	[tilespmem:s10+$0x1800] =	vst v3;
	v3 =	vand.u32 $0xFFFF0000, v4;
	v6 =	vmul.f32 v6, v10  }
0xe9: {  	v9 =	vld [tilespmem:s10+$0x1830];
	v4 =	vshll.u32 v5, $0x10;
	v3 =	vmul.f32 v3, v11  }
0xea: {  	v15 =	vld [tilespmem:s10+$0x440];
	v10 =	vmul.f32 v4, v13;
	[tilespmem:s10+$0x410] =	vst v6  }
0xeb: {  	v6 =	vld [tilespmem:s10+$0x1840];
	[tilespmem:s10+$0x1810] =	vst v3;
	v3 =	vand.u32 $0xFFFF0000, v5  }
0xec: {  	v4 =	vld [tilespmem:s10+$0x450];
	[tilespmem:s10+$0x420] =	vst v10;
	v10 =	vshll.u32 v7, $0x10;
	v3 =	vmul.f32 v3, v63  }
0xed: {  	v5 =	vld [tilespmem:s10+$0x1850];
	v7 =	vand.u32 $0xFFFF0000, v7;
	v10 =	vmul.f32 v10, v14  }
0xee: {  	v11 =	vshll.u32 v8, $0x10;
	v9 =	vmul.f32 v7, v9;
	[tilespmem:s10+$0x1820] =	vst v3;
	v3 =	vld [tilespmem:s10+$0x460]  }
0xef: {  	s4 =	simm.s32 $0x200;
	v7 =	vld [tilespmem:s10+$0x1860];
	[tilespmem:s10+$0x430] =	vst v10;
	v10 =	vand.u32 $0xFFFF0000, v8;
	v8 =	vmul.f32 v11, v15  }
.LBB2_8:
0xf0: {  	p0 =	sne.s32 s4, $0x4E00;
	[tilespmem:s10+$0x1830] =	vst v9;
	v6 =	vmul.f32 v10, v6;
	v9 =	vshll.u32 v2, $0x10;
	v10 =	vld [tilespmem:s10+$0x470]  }
0xf1: {  	s16 =	sshra.s32 s4, $0x2;
	v2 =	vand.u32 $0xFFFF0000, v2;
	[tilespmem:s10+$0x440] =	vst v8;
	v4 =	vmul.f32 v9, v4;
	v8 =	vld [tilespmem:s10+$0x1870]  }
0xf2: {  	v9 =	vld [tilespmem:s16+$0x2C00];
	[tilespmem:s10+$0x1840] =	vst v6;
	v2 =	vmul.f32 v2, v5;
	v5 =	vshll.u32 v1, $0x10  }
0xf3: {  	v1 =	vand.u32 $0xFFFF0000, v1;
	v6 =	vld [tilespmem:s16+$0x2C10];
	[tilespmem:s10+$0x450] =	vst v4;
	v3 =	vmul.f32 v5, v3  }
0xf4: {  	v4 =	vld [tilespmem:s16+$0x2C20];
	[tilespmem:s10+$0x1850] =	vst v2;
	v1 =	vmul.f32 v1, v7;
	v2 =	vshll.u32 v0, $0x10  }
0xf5: {  	v0 =	vand.u32 $0xFFFF0000, v0;
	v5 =	vld [tilespmem:s16+$0x2C30];
	[tilespmem:s10+$0x460] =	vst v3;
	v3 =	vmul.f32 v2, v10  }
0xf6: {  	v7 =	vld [tilespmem:s16+$0x2C40];
	[tilespmem:s10+$0x1860] =	vst v1;
	v0 =	vmul.f32 v0, v8  }
0xf7: {  	v2 =	vld [tilespmem:s16+$0x2C50];
	[tilespmem:s10+$0x470] =	vst v3  }
0xf8: {  	v1 =	vld [tilespmem:s16+$0x2C60];
	[tilespmem:s10+$0x1870] =	vst v0;
	s10 =	smov.u32 s16  }
0xf9: {  	v0 =	vld [tilespmem:s10+$0x2C70]  }
0xfa: {  	v3 =	vld [tilespmem:s10+$0x400]  }
0xfb: {  	v8 =	vld [tilespmem:s10+$0x1800]  }
0xfc: {  	v10 =	vld [tilespmem:s10+$0x410]  }
0xfd: {  	v11 =	vld [tilespmem:s10+$0x1810]  }
0xfe: {  	v12 =	vshll.u32 v9, $0x10;
	v13 =	vld [tilespmem:s10+$0x420]  }
0xff: {  	v9 =	vand.u32 $0xFFFF0000, v9;
	v3 =	vmul.f32 v12, v3;
	v12 =	vld [tilespmem:s10+$0x1820]  }
0x100: {  	v8 =	vmul.f32 v9, v8;
	v9 =	vshll.u32 v6, $0x10;
	v14 =	vld [tilespmem:s10+$0x430]  }
0x101: {  	[tilespmem:s10+$0x400] =	vst v3;
	v3 =	vand.u32 $0xFFFF0000, v6;
	v6 =	vmul.f32 v9, v10;
	v9 =	vld [tilespmem:s10+$0x1830]  }
0x102: {  	[tilespmem:s10+$0x1800] =	vst v8;
	v3 =	vmul.f32 v3, v11;
	v8 =	vshll.u32 v4, $0x10;
	v11 =	vld [tilespmem:s10+$0x440]  }
.Ltmp3:
0x103: {  	v4 =	vand.u32 $0xFFFF0000, v4;
	[tilespmem:s10+$0x410] =	vst v6;
	v8 =	vmul.f32 v8, v13;
	v6 =	vld [tilespmem:s10+$0x1840];
	(pc) =	sbr.rel @p0 .LBB2_8-.Ltmp3, $4  }
0x104: {  	v10 =	vshll.u32 v5, $0x10;
	[tilespmem:s10+$0x1810] =	vst v3;
	v3 =	vmul.f32 v4, v12;
	v4 =	vld [tilespmem:s10+$0x450]  }
0x105: {  	[tilespmem:s10+$0x420] =	vst v8;
	v8 =	vand.u32 $0xFFFF0000, v5;
	v10 =	vmul.f32 v10, v14;
	v5 =	vld [tilespmem:s10+$0x1850]  }
0x106: {  	[tilespmem:s10+$0x1820] =	vst v3;
	v9 =	vmul.f32 v8, v9;
	v8 =	vshll.u32 v7, $0x10;
	v3 =	vld [tilespmem:s10+$0x460]  }
0x107: {  	s4 =	sadd.s32 $0x200, s4;
	[tilespmem:s10+$0x430] =	vst v10;
	v10 =	vand.u32 $0xFFFF0000, v7;
	v8 =	vmul.f32 v8, v11;
	v7 =	vld [tilespmem:s10+$0x1860]  }
0x108: {  	[tilespmem:s10+$0x1830] =	vst v9;
	v56 =	vld [tilespmem:s10+$0x470];
	v6 =	vmul.f32 v10, v6;
	v57 =	vshll.u32 v2, $0x10  }
0x109: {  	v58 =	vand.u32 $0xFFFF0000, v2;
	v59 =	vld [tilespmem:s10+$0x1870];
	[tilespmem:s10+$0x440] =	vst v8;
	v4 =	vmul.f32 v57, v4  }
0x10a: {  	v60 =	vshll.u32 v1, $0x10;
	[tilespmem:s10+$0x1840] =	vst v6;
	v2 =	vmul.f32 v58, v5  }
0x10b: {  	v61 =	vand.u32 $0xFFFF0000, v1;
	[tilespmem:s10+$0x450] =	vst v4;
	v3 =	vmul.f32 v60, v3  }
0x10c: {  	v62 =	vshll.u32 v0, $0x10;
	[tilespmem:s10+$0x1850] =	vst v2;
	v1 =	vmul.f32 v61, v7  }
0x10d: {  	v63 =	vand.u32 $0xFFFF0000, v0;
	[tilespmem:s10+$0x460] =	vst v3;
	v2 =	vmul.f32 v62, v56  }
0x10e: {  	v0 =	vmul.f32 v63, v59;
	[tilespmem:s10+$0x1860] =	vst v1  }
0x10f: {  	[tilespmem:s10+$0x470] =	vst v2  }
0x110: {  	[tilespmem:s10+$0x1870] =	vst v0  }
0x111: {  	[spmem:s3] =	stream.indirect.scatter.add.f32 [tilespmem:s20], [sflag:$0x3], $0x80, s12, s18, $0xb8;
	[tilespmem:$0x1BC00] =	vst v63  }
0x112: {  	_ = 	snop  }
0x113: {  	[spmem:s3] =	stream.indirect.scatter.add.f32 [tilespmem:s22], [sflag:$0x3], $0x80, s13, s18, $0xb8;
	[tilespmem:$0x1BC00] =	vst v63  }
0x114: {  	_ =	swait.ge [sflag:s14], $0x1400  }
0x115: {  	[sflag:s14] =	ssyncset.done $0x0  }
0x116: {  	[sflag:s14] =	ssyncadd.s32 $0xFFFFEC00  }
0x117: {  	_ =	swait.ge [sflag:s14], $0x1400  }
0x118: {  	[sflag:s14] =	ssyncset.done $0x0  }
0x119: {  	[sflag:s14] =	ssyncadd.s32 $0xFFFFEC00  }
0x11a: {  	[bflag:$0x0] =	sbarrier.arrive $0xFFFF  }
0x11b: {  	s19 =	rddreg [dreg:$0x6]  }
0x11c: {  	s4 =	rddreg [dreg:$0x9]  }
0x11d: {  	s10 =	rddreg [dreg:$0xb]  }
0x11e: {  	[hbm:s4], [sflag:s19] =	dma.local [spmem:s10], $0x2800  }
0x11f: {  	_ =	swait.ge [sflag:s17], $0x2800  }
0x120: {  	s16 =	rddreg [dreg:$0x4]  }
0x121: {  	s4 =	rddreg [dreg:$0xa];
	s16 =	sadd.s32 $0x1, s16  }
0x122: {  	p0 =	sne.s32 s16, s4  }
.Ltmp4:
0x123: {  	_ = 	snop;
	(pc) =	sbr.rel @p0 .LBB2_1-.Ltmp4, $3  }
0x124: {  	_ =	sdelay $0x1  }
0x125: {  	[sflag:s17] =	ssyncset.done $0x0  }
0x126: {  	[sflag:s17] =	ssyncadd.s32 $0xFFFFD800  }
0x127: {  	_ =	sfence.sel $0x180000  }
0x128: {  	[bflag:$0x0] =	sbarrier.arrive $0xFFFF  }
0x129: {  	_ =	strace $0x90000047  }
0x12a: {  	s0 =	stileid.u32;
	[bflag:$0x2] =	sbarrier.arrive $0xFFFF  }
0x12b: {  	p0 =	sne.s32 s0, $0x0;
	s0 =	rddreg [dreg:$0x3]  }
0x12c: {  	s0 =	sadd.s32 @!p0 $0x100000, s0  }
0x12d: {  	[sflag:s0] =	ssyncadd.tile.s32 @!p0 $0x1;
	_ =	shalt  }
.Lfunc_end2:
_tile_overlayer_lowered:
.L_overlay_start_2:
0x12e: {  	(tag) =	ssettag $0x2  }
0x12f: {  	s0 =	rddreg [dreg:$0x0];
	s2 =	stileid.u32  }
0x130: {  	s1 =	rddreg [dreg:$0x1];
	p0 =	sne.s32 s2, $0x0  }
0x131: {  	s3 =	rddreg [dreg:$0x2];
	[bflag:$0x3] =	sbarrier.arrive $0xFFFF;
	s2 =	simm.s32 @!p0 $0x1C07  }
0x132: {  	[timem:s3], [sflag:s2] =	dma.local @!p0 [hbm:s0], s1  }
0x133: {  	s0 =	simm.s32 @!p0 $0x7  }
0x134: {  	_ =	swait.ge @!p0 [sflag:s0], s1  }
0x135: {  	s1 =	ssub.s32 @!p0 $0x0, s1;
	[sflag:s0] =	ssyncset.done @!p0 $0x0  }
0x136: {  	[sflag:s0] =	ssyncadd.s32 @!p0 s1  }
0x137: {  	[bflag:$0x3] =	sbarrier.arrive $0xFFFF  }
0x138: {  	_ =	shalt  }

</sc_bundles>
